<compile_context>
chip_gen: v7x
topology: tpu7x:2x2x1
jax: 0.10.2.dev20260603
libtpu: 0.0.44.dev20260713+nightly
codegen_flags: <defaults>
</compile_context>

<pallas_src>
import functools

import jax
import jax.numpy as jnp
from jax import lax
from jax.experimental import pallas as pl
from jax.experimental.pallas import tpu as pltpu
from jax.experimental.pallas import tpu_sc as plsc

N = 2048
M = N * (N - 1)
ROWS = N - 1
NC, NS = 2, 16
NW = NC * NS
CR = 2
CHUNKS = 32
CW = CR * N


def _compute_row(k, off, xv, yv, zv, xb, yb, zb, db, mb):
    ii = lax.broadcasted_iota(jnp.int32, (16,), 0)
    magic = jnp.full((16,), 0x5F3759DF, dtype=jnp.int32)
    half = jnp.full((16,), 0.5, dtype=jnp.float32)
    three_half = jnp.full((16,), 1.5, dtype=jnp.float32)
    cutoff2 = plsc.bitcast(jnp.full((16,), 0x3E23D70B, dtype=jnp.int32),
                           jnp.float32)
    one = jnp.full((16,), 1, dtype=jnp.int32)

    k1 = k + 1
    kv = jnp.full((16,), k, dtype=jnp.int32)
    k1v = kv + one
    xk = plsc.load_gather(xv, [kv])
    yk = plsc.load_gather(yv, [kv])
    zk = plsc.load_gather(zv, [kv])
    xk1 = plsc.load_gather(xv, [k1v])
    yk1 = plsc.load_gather(yv, [k1v])
    zk1 = plsc.load_gather(zv, [k1v])
    switch = N - 1 - k

    @plsc.parallel_loop(0, N // 16, step=1, unroll=8)
    def blk_body(b):
        c0 = b * 16
        cmp = (c0 + ii) >= switch
        xj = xv[pl.ds(k1 + c0, 16)]
        yj = yv[pl.ds(k1 + c0, 16)]
        zj = zv[pl.ds(k1 + c0, 16)]
        dx = jnp.where(cmp, xk1, xk) - xj
        dy = jnp.where(cmp, yk1, yk) - yj
        dz = jnp.where(cmp, zk1, zk) - zj
        d2 = dx * dx + dy * dy + dz * dz
        y = plsc.bitcast(magic - (plsc.bitcast(d2, jnp.int32) >> 1),
                         jnp.float32)
        hd2 = half * d2
        y = y * (three_half - hd2 * y * y)
        y = y * (three_half - hd2 * y * y)
        d = d2 * y
        m = (d2 <= cutoff2).astype(jnp.int32)
        xb[pl.ds(off + c0, 16)] = dx
        yb[pl.ds(off + c0, 16)] = dy
        zb[pl.ds(off + c0, 16)] = dz
        db[pl.ds(off + c0, 16)] = d
        mb[pl.ds(off + c0, 16)] = m


def _sc_body(x_hbm, y_hbm, z_hbm,
             xo_hbm, yo_hbm, zo_hbm, d_hbm, m_hbm,
             xv, yv, zv,
             xb0, yb0, zb0, db0, mb0,
             xb1, yb1, zb1, db1, mb1,
             sem0, sem1):
    wid = lax.axis_index("s") * NC + lax.axis_index("c")
    row_base = wid * CR * CHUNKS

    pltpu.sync_copy(x_hbm, xv)
    pltpu.sync_copy(y_hbm, yv)
    pltpu.sync_copy(z_hbm, zv)

    slots = ((xb0, yb0, zb0, db0, mb0, sem0),
             (xb1, yb1, zb1, db1, mb1, sem1))

    def chunk(u, s):
        xb, yb, zb, db, mb, sem = slots[s]
        cc = 2 * u + s
        k0 = jnp.minimum(row_base + CR * cc, ROWS - CR)

        @pl.when(u > 0)
        def _wait():
            for buf, hbm in ((xb, xo_hbm), (yb, yo_hbm), (zb, zo_hbm),
                             (db, d_hbm), (mb, m_hbm)):
                pltpu.make_async_copy(buf, hbm.at[pl.ds(0, CW)], sem).wait()

        for r in range(CR):
            _compute_row(k0 + r, r * N, xv, yv, zv, xb, yb, zb, db, mb)

        base = k0 * N
        pltpu.async_copy(xb, xo_hbm.at[pl.ds(base, CW)], sem)
        pltpu.async_copy(yb, yo_hbm.at[pl.ds(base, CW)], sem)
        pltpu.async_copy(zb, zo_hbm.at[pl.ds(base, CW)], sem)
        pltpu.async_copy(db, d_hbm.at[pl.ds(base, CW)], sem)
        pltpu.async_copy(mb, m_hbm.at[pl.ds(base, CW)], sem)

    def u_body(u, _):
        chunk(u, 0)
        chunk(u, 1)
        return 0

    lax.fori_loop(0, CHUNKS // 2, u_body, 0)

    for s in (0, 1):
        xb, yb, zb, db, mb, sem = slots[s]
        for buf, hbm in ((xb, xo_hbm), (yb, yo_hbm), (zb, zo_hbm),
                         (db, d_hbm), (mb, m_hbm)):
            pltpu.make_async_copy(buf, hbm.at[pl.ds(0, CW)], sem).wait()


_sc_pairs = functools.partial(
    pl.kernel,
    mesh=plsc.VectorSubcoreMesh(core_axis_name="c", subcore_axis_name="s"),
    compiler_params=pltpu.CompilerParams(needs_layout_passes=False),
    out_type=[
        jax.ShapeDtypeStruct((M,), jnp.float32),
        jax.ShapeDtypeStruct((M,), jnp.float32),
        jax.ShapeDtypeStruct((M,), jnp.float32),
        jax.ShapeDtypeStruct((M,), jnp.float32),
        jax.ShapeDtypeStruct((M,), jnp.int32),
    ],
    scratch_types=(
        [pltpu.VMEM((2 * N,), jnp.float32)] * 3
        + [pltpu.VMEM((CW,), jnp.float32)] * 4
        + [pltpu.VMEM((CW,), jnp.int32)]
        + [pltpu.VMEM((CW,), jnp.float32)] * 4
        + [pltpu.VMEM((CW,), jnp.int32)]
        + [pltpu.SemaphoreType.DMA] * 2
    ),
)(_sc_body)


def _pair_body(pair_ref):
    pid = pl.program_id(0)
    L = pair_ref.shape[1]
    p = lax.broadcasted_iota(jnp.int32, (1, L), 1) + pid * L
    k = p >> 11
    f = p + k + 1
    i = f >> 11
    j = f & (N - 1)
    pair_ref[...] = jnp.concatenate([i, j], axis=0)


_PAIR_L = 131072


def _pair_indices():
    return pl.pallas_call(
        _pair_body,
        grid=(pl.cdiv(M, _PAIR_L),),
        out_specs=pl.BlockSpec((2, _PAIR_L), lambda g: (0, g)),
        out_shape=jax.ShapeDtypeStruct((2, M), jnp.int32),
    )()


def kernel(positions, atomic_subsystem_indices):
    comp = jnp.concatenate([positions.T, positions.T], axis=1)
    pair = _pair_indices()
    rx, ry, rz, d, mask = _sc_pairs(comp[0], comp[1], comp[2])
    r = jnp.stack([rx, ry, rz], axis=1)
    return (
        pair,
        d.reshape(M, 1),
        r,
        mask.astype(jnp.bool_).reshape(M, 1),
    )

# --- scband reference (transcript-rebuilt; emitter-appended) ---
"""Pipeline reference for scband-neighborlist-for-inference-non-unique-pairs-7241314861369 (READ-ONLY COPY).

The authoritative reference and input builder live on the scoring server;
editing this copy changes nothing except your own understanding.
"""

import jax, jax.numpy as jnp
import numpy as np

N_ATOMS = 2048


def setup_inputs(seed: int = 0) -> dict:
    key = jax.random.key(seed)
    k1, k2 = jax.random.split(key)
    positions = jax.random.uniform(k1, (N_ATOMS, 3), dtype=jnp.float32)
    atomic_subsystem_indices = jnp.zeros((N_ATOMS,), dtype=jnp.int32)
    return {"positions": positions, "atomic_subsystem_indices": atomic_subsystem_indices}


def reference(positions, atomic_subsystem_indices):
    # Faithful translation of NeighborlistForInferenceNonUniquePairs.forward
    n = atomic_subsystem_indices.shape[0]
    indices = np.arange(n)
    i_grid, j_grid = np.meshgrid(indices, indices, indexing='ij')
    mask = i_grid != j_grid
    i_final_pairs = jnp.asarray(i_grid[mask], dtype=jnp.int32)
    j_final_pairs = jnp.asarray(j_grid[mask], dtype=jnp.int32)
    r_ij = positions[i_final_pairs] - positions[j_final_pairs]
    d_ij = jnp.linalg.norm(r_ij, axis=1, keepdims=True)
    pair_indices = jnp.stack((i_final_pairs, j_final_pairs))
    # single cutoff key 'maximum_interaction_radius'; module hardcodes 0.4 threshold
    interaction_mask = d_ij <= 0.4
    return (pair_indices, d_ij, r_ij, interaction_mask)

if __name__ == "__main__":
    import jax
    _d = setup_inputs()
    print(jax.jit(kernel)(*tuple(_d.values())))

</pallas_src>

<mosaic_0001>
#map = affine_map<(d0, d1) -> (0)>
module attributes {stable_mosaic.version = 14 : i64} {
  func.func @_sc_body(%arg0: i32, %arg1: i32, %arg2: memref<4096xf32, #tpu.memory_space<hbm>>, %arg3: memref<4096xf32, #tpu.memory_space<hbm>>, %arg4: memref<4096xf32, #tpu.memory_space<hbm>>, %arg5: memref<4192256xf32, #tpu.memory_space<hbm>>, %arg6: memref<4192256xf32, #tpu.memory_space<hbm>>, %arg7: memref<4192256xf32, #tpu.memory_space<hbm>>, %arg8: memref<4192256xf32, #tpu.memory_space<hbm>>, %arg9: memref<4192256xi32, #tpu.memory_space<hbm>>, %arg10: memref<4096xf32, #tpu.memory_space<vmem>>, %arg11: memref<4096xf32, #tpu.memory_space<vmem>>, %arg12: memref<4096xf32, #tpu.memory_space<vmem>>, %arg13: memref<4096xf32, #tpu.memory_space<vmem>>, %arg14: memref<4096xf32, #tpu.memory_space<vmem>>, %arg15: memref<4096xf32, #tpu.memory_space<vmem>>, %arg16: memref<4096xf32, #tpu.memory_space<vmem>>, %arg17: memref<4096xi32, #tpu.memory_space<vmem>>, %arg18: memref<4096xf32, #tpu.memory_space<vmem>>, %arg19: memref<4096xf32, #tpu.memory_space<vmem>>, %arg20: memref<4096xf32, #tpu.memory_space<vmem>>, %arg21: memref<4096xf32, #tpu.memory_space<vmem>>, %arg22: memref<4096xi32, #tpu.memory_space<vmem>>, %arg23: memref<!tpu.dma_semaphore, #tpu.memory_space<semaphore_mem>>, %arg24: memref<!tpu.dma_semaphore, #tpu.memory_space<semaphore_mem>>) attributes {dimension_semantics = [#tpu.dimension_semantics<core_parallel>, #tpu.dimension_semantics<subcore_parallel>], iteration_bounds = array<i64: 2, 16>, scalar_prefetch = 0 : i64, scratch_operands = 15 : i64, tpu.core_type = #tpu.core_type<sc_vector_subcore>, window_params = [{transform_indices = #map}, {transform_indices = #map}, {transform_indices = #map}, {transform_indices = #map}, {transform_indices = #map}, {transform_indices = #map}, {transform_indices = #map}, {transform_indices = #map}]} {
    %mul3A = arith.constant 2 : i32
    %mul3A_0 = arith.muli %arg1, %mul3A : i32
    %add3A = arith.addi %mul3A_0, %arg0 : i32
    %mul3A_1 = arith.constant 2 : i32
    %mul3A_2 = arith.muli %add3A, %mul3A_1 : i32
    %mul3A_3 = arith.constant 32 : i32
    %mul3A_4 = arith.muli %mul3A_2, %mul3A_3 : i32
    "tpu.region"() ({
      %run_scoped3A = tpu.sem_alloc : memref<!tpu.dma_semaphore, #tpu.memory_space<semaphore_mem>>
      tpu.enqueue_dma source(%arg2 : memref<4096xf32, #tpu.memory_space<hbm>>) target(%arg10 : memref<4096xf32, #tpu.memory_space<vmem>>) target_semaphore(%run_scoped3A : memref<!tpu.dma_semaphore, #tpu.memory_space<semaphore_mem>>)
      tpu.wait_dma2 semaphore(%run_scoped3A : memref<!tpu.dma_semaphore, #tpu.memory_space<semaphore_mem>>) src(%arg2 : memref<4096xf32, #tpu.memory_space<hbm>>) dst(%arg10 : memref<4096xf32, #tpu.memory_space<vmem>>)
      tpu.yield
    }) : () -> ()
    "tpu.region"() ({
      %run_scoped3A = tpu.sem_alloc : memref<!tpu.dma_semaphore, #tpu.memory_space<semaphore_mem>>
      tpu.enqueue_dma source(%arg3 : memref<4096xf32, #tpu.memory_space<hbm>>) target(%arg11 : memref<4096xf32, #tpu.memory_space<vmem>>) target_semaphore(%run_scoped3A : memref<!tpu.dma_semaphore, #tpu.memory_space<semaphore_mem>>)
      tpu.wait_dma2 semaphore(%run_scoped3A : memref<!tpu.dma_semaphore, #tpu.memory_space<semaphore_mem>>) src(%arg3 : memref<4096xf32, #tpu.memory_space<hbm>>) dst(%arg11 : memref<4096xf32, #tpu.memory_space<vmem>>)
      tpu.yield
    }) : () -> ()
    "tpu.region"() ({
      %run_scoped3A = tpu.sem_alloc : memref<!tpu.dma_semaphore, #tpu.memory_space<semaphore_mem>>
      tpu.enqueue_dma source(%arg4 : memref<4096xf32, #tpu.memory_space<hbm>>) target(%arg12 : memref<4096xf32, #tpu.memory_space<vmem>>) target_semaphore(%run_scoped3A : memref<!tpu.dma_semaphore, #tpu.memory_space<semaphore_mem>>)
      tpu.wait_dma2 semaphore(%run_scoped3A : memref<!tpu.dma_semaphore, #tpu.memory_space<semaphore_mem>>) src(%arg4 : memref<4096xf32, #tpu.memory_space<hbm>>) dst(%arg12 : memref<4096xf32, #tpu.memory_space<vmem>>)
      tpu.yield
    }) : () -> ()
    %scan3A = arith.constant 0 : i32
    %scan3A_5 = arith.constant 0 : i32
    %scan3A_6 = arith.constant 16 : i32
    %scan3A_7 = arith.addi %scan3A_5, %scan3A_6 : i32
    %scan3A_8 = arith.constant 1 : i32
    %scan3A_9 = scf.for %scan3A_50 = %scan3A_5 to %scan3A_7 step %scan3A_8 iter_args(%scan3A_51 = %scan3A) -> (i32)  : i32 {
      %mul3A_52 = arith.constant 2 : i32
      %mul3A_53 = arith.muli %mul3A_52, %scan3A_50 : i32
      %add3A_54 = arith.constant 0 : i32
      %add3A_55 = arith.addi %mul3A_53, %add3A_54 : i32
      %mul3A_56 = arith.constant 2 : i32
      %mul3A_57 = arith.muli %mul3A_56, %add3A_55 : i32
      %add3A_58 = arith.addi %mul3A_4, %mul3A_57 : i32
      %min3A = arith.constant 2045 : i32
      %min3A_59 = arith.minsi %add3A_58, %min3A : i32
      %gt3A = arith.constant 0 : i32
      %gt3A_60 = arith.cmpi sgt, %scan3A_50, %gt3A : i32
      %convert_element_type3A = arith.extui %gt3A_60 : i1 to i32
      %cond3A = arith.constant 0 : i32
      %cond3A_61 = arith.cmpi ne, %convert_element_type3A, %cond3A : i32
      scf.if %cond3A_61 {
        %dma_wait3A_210 = arith.constant 0 : i32
        %dma_wait3A_211 = tpu.memref_slice %arg5[%dma_wait3A_210] : memref<4192256xf32, #tpu.memory_space<hbm>> -> memref<4096xf32, #tpu.memory_space<hbm>>
        %dma_wait3A_212 = arith.constant 0 : i32
        %dma_wait3A_213 = tpu.memref_slice %arg5[%dma_wait3A_212] : memref<4192256xf32, #tpu.memory_space<hbm>> -> memref<4096xf32, #tpu.memory_space<hbm>>
        tpu.wait_dma2 semaphore(%arg23 : memref<!tpu.dma_semaphore, #tpu.memory_space<semaphore_mem>>) src(%arg13 : memref<4096xf32, #tpu.memory_space<vmem>>) dst(%dma_wait3A_213 : memref<4096xf32, #tpu.memory_space<hbm>>)
        %dma_wait3A_214 = arith.constant 0 : i32
        %dma_wait3A_215 = tpu.memref_slice %arg6[%dma_wait3A_214] : memref<4192256xf32, #tpu.memory_space<hbm>> -> memref<4096xf32, #tpu.memory_space<hbm>>
        %dma_wait3A_216 = arith.constant 0 : i32
        %dma_wait3A_217 = tpu.memref_slice %arg6[%dma_wait3A_216] : memref<4192256xf32, #tpu.memory_space<hbm>> -> memref<4096xf32, #tpu.memory_space<hbm>>
        tpu.wait_dma2 semaphore(%arg23 : memref<!tpu.dma_semaphore, #tpu.memory_space<semaphore_mem>>) src(%arg14 : memref<4096xf32, #tpu.memory_space<vmem>>) dst(%dma_wait3A_217 : memref<4096xf32, #tpu.memory_space<hbm>>)
        %dma_wait3A_218 = arith.constant 0 : i32
        %dma_wait3A_219 = tpu.memref_slice %arg7[%dma_wait3A_218] : memref<4192256xf32, #tpu.memory_space<hbm>> -> memref<4096xf32, #tpu.memory_space<hbm>>
        %dma_wait3A_220 = arith.constant 0 : i32
        %dma_wait3A_221 = tpu.memref_slice %arg7[%dma_wait3A_220] : memref<4192256xf32, #tpu.memory_space<hbm>> -> memref<4096xf32, #tpu.memory_space<hbm>>
        tpu.wait_dma2 semaphore(%arg23 : memref<!tpu.dma_semaphore, #tpu.memory_space<semaphore_mem>>) src(%arg15 : memref<4096xf32, #tpu.memory_space<vmem>>) dst(%dma_wait3A_221 : memref<4096xf32, #tpu.memory_space<hbm>>)
        %dma_wait3A_222 = arith.constant 0 : i32
        %dma_wait3A_223 = tpu.memref_slice %arg8[%dma_wait3A_222] : memref<4192256xf32, #tpu.memory_space<hbm>> -> memref<4096xf32, #tpu.memory_space<hbm>>
        %dma_wait3A_224 = arith.constant 0 : i32
        %dma_wait3A_225 = tpu.memref_slice %arg8[%dma_wait3A_224] : memref<4192256xf32, #tpu.memory_space<hbm>> -> memref<4096xf32, #tpu.memory_space<hbm>>
        tpu.wait_dma2 semaphore(%arg23 : memref<!tpu.dma_semaphore, #tpu.memory_space<semaphore_mem>>) src(%arg16 : memref<4096xf32, #tpu.memory_space<vmem>>) dst(%dma_wait3A_225 : memref<4096xf32, #tpu.memory_space<hbm>>)
        %dma_wait3A_226 = arith.constant 0 : i32
        %dma_wait3A_227 = tpu.memref_slice %arg9[%dma_wait3A_226] : memref<4192256xi32, #tpu.memory_space<hbm>> -> memref<4096xi32, #tpu.memory_space<hbm>>
        %dma_wait3A_228 = arith.constant 0 : i32
        %dma_wait3A_229 = tpu.memref_slice %arg9[%dma_wait3A_228] : memref<4192256xi32, #tpu.memory_space<hbm>> -> memref<4096xi32, #tpu.memory_space<hbm>>
        tpu.wait_dma2 semaphore(%arg23 : memref<!tpu.dma_semaphore, #tpu.memory_space<semaphore_mem>>) src(%arg17 : memref<4096xi32, #tpu.memory_space<vmem>>) dst(%dma_wait3A_229 : memref<4096xi32, #tpu.memory_space<hbm>>)
      } else {
      }
      %add3A_62 = arith.constant 0 : i32
      %add3A_63 = arith.addi %min3A_59, %add3A_62 : i32
      %iota3A = tpu.iota {dimensions = array<i32: 0>} : vector<16xi32>
      %broadcast_in_dim3A = arith.constant 1597463007 : i32
      %broadcast_in_dim3A_64 = vector.broadcast %broadcast_in_dim3A : i32 to vector<16xi32>
      %broadcast_in_dim3A_65 = arith.constant 5.000000e-01 : f32
      %broadcast_in_dim3A_66 = vector.broadcast %broadcast_in_dim3A_65 : f32 to vector<16xf32>
      %broadcast_in_dim3A_67 = arith.constant 1.500000e+00 : f32
      %broadcast_in_dim3A_68 = vector.broadcast %broadcast_in_dim3A_67 : f32 to vector<16xf32>
      %broadcast_in_dim3A_69 = arith.constant 1042536203 : i32
      %broadcast_in_dim3A_70 = vector.broadcast %broadcast_in_dim3A_69 : i32 to vector<16xi32>
      %bitcast3A = vector.bitcast %broadcast_in_dim3A_70 : vector<16xi32> to vector<16xf32>
      %broadcast_in_dim3A_71 = arith.constant 1 : i32
      %broadcast_in_dim3A_72 = vector.broadcast %broadcast_in_dim3A_71 : i32 to vector<16xi32>
      %add3A_73 = arith.constant 1 : i32
      %add3A_74 = arith.addi %add3A_63, %add3A_73 : i32
      %broadcast_in_dim3A_75 = vector.broadcast %add3A_63 : i32 to vector<16xi32>
      %add3A_76 = arith.addi %broadcast_in_dim3A_75, %broadcast_in_dim3A_72 : vector<16xi32>
      %gather3A = tpu.vector_load_idx %arg10[%broadcast_in_dim3A_75] : memref<4096xf32, #tpu.memory_space<vmem>>[vector<16xi32>], vector<16xf32>,
      %gather3A_77 = tpu.vector_load_idx %arg11[%broadcast_in_dim3A_75] : memref<4096xf32, #tpu.memory_space<vmem>>[vector<16xi32>], vector<16xf32>,
      %gather3A_78 = tpu.vector_load_idx %arg12[%broadcast_in_dim3A_75] : memref<4096xf32, #tpu.memory_space<vmem>>[vector<16xi32>], vector<16xf32>,
      %gather3A_79 = tpu.vector_load_idx %arg10[%add3A_76] : memref<4096xf32, #tpu.memory_space<vmem>>[vector<16xi32>], vector<16xf32>,
      %gather3A_80 = tpu.vector_load_idx %arg11[%add3A_76] : memref<4096xf32, #tpu.memory_space<vmem>>[vector<16xi32>], vector<16xf32>,
      %gather3A_81 = tpu.vector_load_idx %arg12[%add3A_76] : memref<4096xf32, #tpu.memory_space<vmem>>[vector<16xi32>], vector<16xf32>,
      %sub3A = arith.constant 2047 : i32
      %sub3A_82 = arith.subi %sub3A, %add3A_63 : i32
      %parallel_loop3A = arith.constant 0 : i32
      %parallel_loop3A_83 = arith.constant 128 : i32
      %parallel_loop3A_84 = arith.constant 1 : i32
      scf.for %parallel_loop3A_210 = %parallel_loop3A to %parallel_loop3A_83 step %parallel_loop3A_84  : i32 {
        %parallel_loop3A_211 = arith.constant 16 : i32
        %parallel_loop3A_212 = arith.muli %parallel_loop3A_210, %parallel_loop3A_211 : i32
        %parallel_loop3A_213 = vector.broadcast %parallel_loop3A_212 : i32 to vector<16xi32>
        %parallel_loop3A_214 = arith.addi %parallel_loop3A_213, %iota3A : vector<16xi32>
        %parallel_loop3A_215 = vector.broadcast %sub3A_82 : i32 to vector<16xi32>
        %parallel_loop3A_216 = arith.cmpi sge, %parallel_loop3A_214, %parallel_loop3A_215 : vector<16xi32>
        %parallel_loop3A_217 = arith.addi %add3A_74, %parallel_loop3A_212 : i32
        %parallel_loop3A_218 = arith.index_cast %parallel_loop3A_217 : i32 to index
        %parallel_loop3A_219 = tpu.vector_load %arg10[%parallel_loop3A_218] {strides = array<i32>} : memref<4096xf32, #tpu.memory_space<vmem>>, vector<16xf32>,
        %parallel_loop3A_220 = arith.addi %add3A_74, %parallel_loop3A_212 : i32
        %parallel_loop3A_221 = arith.index_cast %parallel_loop3A_220 : i32 to index
        %parallel_loop3A_222 = tpu.vector_load %arg11[%parallel_loop3A_221] {strides = array<i32>} : memref<4096xf32, #tpu.memory_space<vmem>>, vector<16xf32>,
        %parallel_loop3A_223 = arith.addi %add3A_74, %parallel_loop3A_212 : i32
        %parallel_loop3A_224 = arith.index_cast %parallel_loop3A_223 : i32 to index
        %parallel_loop3A_225 = tpu.vector_load %arg12[%parallel_loop3A_224] {strides = array<i32>} : memref<4096xf32, #tpu.memory_space<vmem>>, vector<16xf32>,
        %parallel_loop3A_226 = arith.select %parallel_loop3A_216, %gather3A_79, %gather3A : vector<16xi1>, vector<16xf32>
        %parallel_loop3A_227 = arith.subf %parallel_loop3A_226, %parallel_loop3A_219 : vector<16xf32>
        %parallel_loop3A_228 = arith.select %parallel_loop3A_216, %gather3A_80, %gather3A_77 : vector<16xi1>, vector<16xf32>
        %parallel_loop3A_229 = arith.subf %parallel_loop3A_228, %parallel_loop3A_222 : vector<16xf32>
        %parallel_loop3A_230 = arith.select %parallel_loop3A_216, %gather3A_81, %gather3A_78 : vector<16xi1>, vector<16xf32>
        %parallel_loop3A_231 = arith.subf %parallel_loop3A_230, %parallel_loop3A_225 : vector<16xf32>
        %parallel_loop3A_232 = arith.mulf %parallel_loop3A_227, %parallel_loop3A_227 : vector<16xf32>
        %parallel_loop3A_233 = arith.mulf %parallel_loop3A_229, %parallel_loop3A_229 : vector<16xf32>
        %parallel_loop3A_234 = arith.addf %parallel_loop3A_232, %parallel_loop3A_233 : vector<16xf32>
        %parallel_loop3A_235 = arith.mulf %parallel_loop3A_231, %parallel_loop3A_231 : vector<16xf32>
        %parallel_loop3A_236 = arith.addf %parallel_loop3A_234, %parallel_loop3A_235 : vector<16xf32>
        %parallel_loop3A_237 = vector.bitcast %parallel_loop3A_236 : vector<16xf32> to vector<16xi32>
        %parallel_loop3A_238 = arith.constant 1 : i32
        %parallel_loop3A_239 = vector.broadcast %parallel_loop3A_238 : i32 to vector<16xi32>
        %parallel_loop3A_240 = arith.shrsi %parallel_loop3A_237, %parallel_loop3A_239 : vector<16xi32>
        %parallel_loop3A_241 = arith.subi %broadcast_in_dim3A_64, %parallel_loop3A_240 : vector<16xi32>
        %parallel_loop3A_242 = vector.bitcast %parallel_loop3A_241 : vector<16xi32> to vector<16xf32>
        %parallel_loop3A_243 = arith.mulf %broadcast_in_dim3A_66, %parallel_loop3A_236 : vector<16xf32>
        %parallel_loop3A_244 = arith.mulf %parallel_loop3A_243, %parallel_loop3A_242 : vector<16xf32>
        %parallel_loop3A_245 = arith.mulf %parallel_loop3A_244, %parallel_loop3A_242 : vector<16xf32>
        %parallel_loop3A_246 = arith.subf %broadcast_in_dim3A_68, %parallel_loop3A_245 : vector<16xf32>
        %parallel_loop3A_247 = arith.mulf %parallel_loop3A_242, %parallel_loop3A_246 : vector<16xf32>
        %parallel_loop3A_248 = arith.mulf %parallel_loop3A_243, %parallel_loop3A_247 : vector<16xf32>
        %parallel_loop3A_249 = arith.mulf %parallel_loop3A_248, %parallel_loop3A_247 : vector<16xf32>
        %parallel_loop3A_250 = arith.subf %broadcast_in_dim3A_68, %parallel_loop3A_249 : vector<16xf32>
        %parallel_loop3A_251 = arith.mulf %parallel_loop3A_247, %parallel_loop3A_250 : vector<16xf32>
        %parallel_loop3A_252 = arith.mulf %parallel_loop3A_236, %parallel_loop3A_251 : vector<16xf32>
        %parallel_loop3A_253 = arith.cmpf ole, %parallel_loop3A_236, %bitcast3A : vector<16xf32>
        %parallel_loop3A_254 = arith.extui %parallel_loop3A_253 : vector<16xi1> to vector<16xi32>
        %parallel_loop3A_255 = arith.constant 0 : i32
        %parallel_loop3A_256 = arith.addi %parallel_loop3A_255, %parallel_loop3A_212 : i32
        %parallel_loop3A_257 = arith.index_cast %parallel_loop3A_256 : i32 to index
        %parallel_loop3A_258 = tpu.vector_load %arg13[%parallel_loop3A_257] {strides = array<i32>} : memref<4096xf32, #tpu.memory_space<vmem>>, vector<16xf32>,
        tpu.vector_store %arg13[%parallel_loop3A_257], %parallel_loop3A_227 {strides = array<i32>} : memref<4096xf32, #tpu.memory_space<vmem>>, vector<16xf32>,
        %parallel_loop3A_259 = arith.constant 0 : i32
        %parallel_loop3A_260 = arith.addi %parallel_loop3A_259, %parallel_loop3A_212 : i32
        %parallel_loop3A_261 = arith.index_cast %parallel_loop3A_260 : i32 to index
        %parallel_loop3A_262 = tpu.vector_load %arg14[%parallel_loop3A_261] {strides = array<i32>} : memref<4096xf32, #tpu.memory_space<vmem>>, vector<16xf32>,
        tpu.vector_store %arg14[%parallel_loop3A_261], %parallel_loop3A_229 {strides = array<i32>} : memref<4096xf32, #tpu.memory_space<vmem>>, vector<16xf32>,
        %parallel_loop3A_263 = arith.constant 0 : i32
        %parallel_loop3A_264 = arith.addi %parallel_loop3A_263, %parallel_loop3A_212 : i32
        %parallel_loop3A_265 = arith.index_cast %parallel_loop3A_264 : i32 to index
        %parallel_loop3A_266 = tpu.vector_load %arg15[%parallel_loop3A_265] {strides = array<i32>} : memref<4096xf32, #tpu.memory_space<vmem>>, vector<16xf32>,
        tpu.vector_store %arg15[%parallel_loop3A_265], %parallel_loop3A_231 {strides = array<i32>} : memref<4096xf32, #tpu.memory_space<vmem>>, vector<16xf32>,
        %parallel_loop3A_267 = arith.constant 0 : i32
        %parallel_loop3A_268 = arith.addi %parallel_loop3A_267, %parallel_loop3A_212 : i32
        %parallel_loop3A_269 = arith.index_cast %parallel_loop3A_268 : i32 to index
        %parallel_loop3A_270 = tpu.vector_load %arg16[%parallel_loop3A_269] {strides = array<i32>} : memref<4096xf32, #tpu.memory_space<vmem>>, vector<16xf32>,
        tpu.vector_store %arg16[%parallel_loop3A_269], %parallel_loop3A_252 {strides = array<i32>} : memref<4096xf32, #tpu.memory_space<vmem>>, vector<16xf32>,
        %parallel_loop3A_271 = arith.constant 0 : i32
        %parallel_loop3A_272 = arith.addi %parallel_loop3A_271, %parallel_loop3A_212 : i32
        %parallel_loop3A_273 = arith.index_cast %parallel_loop3A_272 : i32 to index
        %parallel_loop3A_274 = tpu.vector_load %arg17[%parallel_loop3A_273] {strides = array<i32>} : memref<4096xi32, #tpu.memory_space<vmem>>, vector<16xi32>,
        tpu.vector_store %arg17[%parallel_loop3A_273], %parallel_loop3A_254 {strides = array<i32>} : memref<4096xi32, #tpu.memory_space<vmem>>, vector<16xi32>,
      } {sc.loop_unroll_factor = 8 : i64, sc.parallel_access}
      %add3A_85 = arith.constant 1 : i32
      %add3A_86 = arith.addi %min3A_59, %add3A_85 : i32
      %iota3A_87 = tpu.iota {dimensions = array<i32: 0>} : vector<16xi32>
      %broadcast_in_dim3A_88 = arith.constant 1597463007 : i32
      %broadcast_in_dim3A_89 = vector.broadcast %broadcast_in_dim3A_88 : i32 to vector<16xi32>
      %broadcast_in_dim3A_90 = arith.constant 5.000000e-01 : f32
      %broadcast_in_dim3A_91 = vector.broadcast %broadcast_in_dim3A_90 : f32 to vector<16xf32>
      %broadcast_in_dim3A_92 = arith.constant 1.500000e+00 : f32
      %broadcast_in_dim3A_93 = vector.broadcast %broadcast_in_dim3A_92 : f32 to vector<16xf32>
      %broadcast_in_dim3A_94 = arith.constant 1042536203 : i32
      %broadcast_in_dim3A_95 = vector.broadcast %broadcast_in_dim3A_94 : i32 to vector<16xi32>
      %bitcast3A_96 = vector.bitcast %broadcast_in_dim3A_95 : vector<16xi32> to vector<16xf32>
      %broadcast_in_dim3A_97 = arith.constant 1 : i32
      %broadcast_in_dim3A_98 = vector.broadcast %broadcast_in_dim3A_97 : i32 to vector<16xi32>
      %add3A_99 = arith.constant 1 : i32
      %add3A_100 = arith.addi %add3A_86, %add3A_99 : i32
      %broadcast_in_dim3A_101 = vector.broadcast %add3A_86 : i32 to vector<16xi32>
      %add3A_102 = arith.addi %broadcast_in_dim3A_101, %broadcast_in_dim3A_98 : vector<16xi32>
      %gather3A_103 = tpu.vector_load_idx %arg10[%broadcast_in_dim3A_101] : memref<4096xf32, #tpu.memory_space<vmem>>[vector<16xi32>], vector<16xf32>,
      %gather3A_104 = tpu.vector_load_idx %arg11[%broadcast_in_dim3A_101] : memref<4096xf32, #tpu.memory_space<vmem>>[vector<16xi32>], vector<16xf32>,
      %gather3A_105 = tpu.vector_load_idx %arg12[%broadcast_in_dim3A_101] : memref<4096xf32, #tpu.memory_space<vmem>>[vector<16xi32>], vector<16xf32>,
      %gather3A_106 = tpu.vector_load_idx %arg10[%add3A_102] : memref<4096xf32, #tpu.memory_space<vmem>>[vector<16xi32>], vector<16xf32>,
      %gather3A_107 = tpu.vector_load_idx %arg11[%add3A_102] : memref<4096xf32, #tpu.memory_space<vmem>>[vector<16xi32>], vector<16xf32>,
      %gather3A_108 = tpu.vector_load_idx %arg12[%add3A_102] : memref<4096xf32, #tpu.memory_space<vmem>>[vector<16xi32>], vector<16xf32>,
      %sub3A_109 = arith.constant 2047 : i32
      %sub3A_110 = arith.subi %sub3A_109, %add3A_86 : i32
      %parallel_loop3A_111 = arith.constant 0 : i32
      %parallel_loop3A_112 = arith.constant 128 : i32
      %parallel_loop3A_113 = arith.constant 1 : i32
      scf.for %parallel_loop3A_210 = %parallel_loop3A_111 to %parallel_loop3A_112 step %parallel_loop3A_113  : i32 {
        %parallel_loop3A_211 = arith.constant 16 : i32
        %parallel_loop3A_212 = arith.muli %parallel_loop3A_210, %parallel_loop3A_211 : i32
        %parallel_loop3A_213 = vector.broadcast %parallel_loop3A_212 : i32 to vector<16xi32>
        %parallel_loop3A_214 = arith.addi %parallel_loop3A_213, %iota3A_87 : vector<16xi32>
        %parallel_loop3A_215 = vector.broadcast %sub3A_110 : i32 to vector<16xi32>
        %parallel_loop3A_216 = arith.cmpi sge, %parallel_loop3A_214, %parallel_loop3A_215 : vector<16xi32>
        %parallel_loop3A_217 = arith.addi %add3A_100, %parallel_loop3A_212 : i32
        %parallel_loop3A_218 = arith.index_cast %parallel_loop3A_217 : i32 to index
        %parallel_loop3A_219 = tpu.vector_load %arg10[%parallel_loop3A_218] {strides = array<i32>} : memref<4096xf32, #tpu.memory_space<vmem>>, vector<16xf32>,
        %parallel_loop3A_220 = arith.addi %add3A_100, %parallel_loop3A_212 : i32
        %parallel_loop3A_221 = arith.index_cast %parallel_loop3A_220 : i32 to index
        %parallel_loop3A_222 = tpu.vector_load %arg11[%parallel_loop3A_221] {strides = array<i32>} : memref<4096xf32, #tpu.memory_space<vmem>>, vector<16xf32>,
        %parallel_loop3A_223 = arith.addi %add3A_100, %parallel_loop3A_212 : i32
        %parallel_loop3A_224 = arith.index_cast %parallel_loop3A_223 : i32 to index
        %parallel_loop3A_225 = tpu.vector_load %arg12[%parallel_loop3A_224] {strides = array<i32>} : memref<4096xf32, #tpu.memory_space<vmem>>, vector<16xf32>,
        %parallel_loop3A_226 = arith.select %parallel_loop3A_216, %gather3A_106, %gather3A_103 : vector<16xi1>, vector<16xf32>
        %parallel_loop3A_227 = arith.subf %parallel_loop3A_226, %parallel_loop3A_219 : vector<16xf32>
        %parallel_loop3A_228 = arith.select %parallel_loop3A_216, %gather3A_107, %gather3A_104 : vector<16xi1>, vector<16xf32>
        %parallel_loop3A_229 = arith.subf %parallel_loop3A_228, %parallel_loop3A_222 : vector<16xf32>
        %parallel_loop3A_230 = arith.select %parallel_loop3A_216, %gather3A_108, %gather3A_105 : vector<16xi1>, vector<16xf32>
        %parallel_loop3A_231 = arith.subf %parallel_loop3A_230, %parallel_loop3A_225 : vector<16xf32>
        %parallel_loop3A_232 = arith.mulf %parallel_loop3A_227, %parallel_loop3A_227 : vector<16xf32>
        %parallel_loop3A_233 = arith.mulf %parallel_loop3A_229, %parallel_loop3A_229 : vector<16xf32>
        %parallel_loop3A_234 = arith.addf %parallel_loop3A_232, %parallel_loop3A_233 : vector<16xf32>
        %parallel_loop3A_235 = arith.mulf %parallel_loop3A_231, %parallel_loop3A_231 : vector<16xf32>
        %parallel_loop3A_236 = arith.addf %parallel_loop3A_234, %parallel_loop3A_235 : vector<16xf32>
        %parallel_loop3A_237 = vector.bitcast %parallel_loop3A_236 : vector<16xf32> to vector<16xi32>
        %parallel_loop3A_238 = arith.constant 1 : i32
        %parallel_loop3A_239 = vector.broadcast %parallel_loop3A_238 : i32 to vector<16xi32>
        %parallel_loop3A_240 = arith.shrsi %parallel_loop3A_237, %parallel_loop3A_239 : vector<16xi32>
        %parallel_loop3A_241 = arith.subi %broadcast_in_dim3A_89, %parallel_loop3A_240 : vector<16xi32>
        %parallel_loop3A_242 = vector.bitcast %parallel_loop3A_241 : vector<16xi32> to vector<16xf32>
        %parallel_loop3A_243 = arith.mulf %broadcast_in_dim3A_91, %parallel_loop3A_236 : vector<16xf32>
        %parallel_loop3A_244 = arith.mulf %parallel_loop3A_243, %parallel_loop3A_242 : vector<16xf32>
        %parallel_loop3A_245 = arith.mulf %parallel_loop3A_244, %parallel_loop3A_242 : vector<16xf32>
        %parallel_loop3A_246 = arith.subf %broadcast_in_dim3A_93, %parallel_loop3A_245 : vector<16xf32>
        %parallel_loop3A_247 = arith.mulf %parallel_loop3A_242, %parallel_loop3A_246 : vector<16xf32>
        %parallel_loop3A_248 = arith.mulf %parallel_loop3A_243, %parallel_loop3A_247 : vector<16xf32>
        %parallel_loop3A_249 = arith.mulf %parallel_loop3A_248, %parallel_loop3A_247 : vector<16xf32>
        %parallel_loop3A_250 = arith.subf %broadcast_in_dim3A_93, %parallel_loop3A_249 : vector<16xf32>
        %parallel_loop3A_251 = arith.mulf %parallel_loop3A_247, %parallel_loop3A_250 : vector<16xf32>
        %parallel_loop3A_252 = arith.mulf %parallel_loop3A_236, %parallel_loop3A_251 : vector<16xf32>
        %parallel_loop3A_253 = arith.cmpf ole, %parallel_loop3A_236, %bitcast3A_96 : vector<16xf32>
        %parallel_loop3A_254 = arith.extui %parallel_loop3A_253 : vector<16xi1> to vector<16xi32>
        %parallel_loop3A_255 = arith.constant 2048 : i32
        %parallel_loop3A_256 = arith.addi %parallel_loop3A_255, %parallel_loop3A_212 : i32
        %parallel_loop3A_257 = arith.index_cast %parallel_loop3A_256 : i32 to index
        %parallel_loop3A_258 = tpu.vector_load %arg13[%parallel_loop3A_257] {strides = array<i32>} : memref<4096xf32, #tpu.memory_space<vmem>>, vector<16xf32>,
        tpu.vector_store %arg13[%parallel_loop3A_257], %parallel_loop3A_227 {strides = array<i32>} : memref<4096xf32, #tpu.memory_space<vmem>>, vector<16xf32>,
        %parallel_loop3A_259 = arith.constant 2048 : i32
        %parallel_loop3A_260 = arith.addi %parallel_loop3A_259, %parallel_loop3A_212 : i32
        %parallel_loop3A_261 = arith.index_cast %parallel_loop3A_260 : i32 to index
        %parallel_loop3A_262 = tpu.vector_load %arg14[%parallel_loop3A_261] {strides = array<i32>} : memref<4096xf32, #tpu.memory_space<vmem>>, vector<16xf32>,
        tpu.vector_store %arg14[%parallel_loop3A_261], %parallel_loop3A_229 {strides = array<i32>} : memref<4096xf32, #tpu.memory_space<vmem>>, vector<16xf32>,
        %parallel_loop3A_263 = arith.constant 2048 : i32
        %parallel_loop3A_264 = arith.addi %parallel_loop3A_263, %parallel_loop3A_212 : i32
        %parallel_loop3A_265 = arith.index_cast %parallel_loop3A_264 : i32 to index
        %parallel_loop3A_266 = tpu.vector_load %arg15[%parallel_loop3A_265] {strides = array<i32>} : memref<4096xf32, #tpu.memory_space<vmem>>, vector<16xf32>,
        tpu.vector_store %arg15[%parallel_loop3A_265], %parallel_loop3A_231 {strides = array<i32>} : memref<4096xf32, #tpu.memory_space<vmem>>, vector<16xf32>,
        %parallel_loop3A_267 = arith.constant 2048 : i32
        %parallel_loop3A_268 = arith.addi %parallel_loop3A_267, %parallel_loop3A_212 : i32
        %parallel_loop3A_269 = arith.index_cast %parallel_loop3A_268 : i32 to index
        %parallel_loop3A_270 = tpu.vector_load %arg16[%parallel_loop3A_269] {strides = array<i32>} : memref<4096xf32, #tpu.memory_space<vmem>>, vector<16xf32>,
        tpu.vector_store %arg16[%parallel_loop3A_269], %parallel_loop3A_252 {strides = array<i32>} : memref<4096xf32, #tpu.memory_space<vmem>>, vector<16xf32>,
        %parallel_loop3A_271 = arith.constant 2048 : i32
        %parallel_loop3A_272 = arith.addi %parallel_loop3A_271, %parallel_loop3A_212 : i32
        %parallel_loop3A_273 = arith.index_cast %parallel_loop3A_272 : i32 to index
        %parallel_loop3A_274 = tpu.vector_load %arg17[%parallel_loop3A_273] {strides = array<i32>} : memref<4096xi32, #tpu.memory_space<vmem>>, vector<16xi32>,
        tpu.vector_store %arg17[%parallel_loop3A_273], %parallel_loop3A_254 {strides = array<i32>} : memref<4096xi32, #tpu.memory_space<vmem>>, vector<16xi32>,
      } {sc.loop_unroll_factor = 8 : i64, sc.parallel_access}
      %mul3A_114 = arith.constant 2048 : i32
      %mul3A_115 = arith.muli %min3A_59, %mul3A_114 : i32
      %dma_start3A = tpu.memref_slice %arg5[%mul3A_115] : memref<4192256xf32, #tpu.memory_space<hbm>> -> memref<4096xf32, #tpu.memory_space<hbm>>
      %dma_start3A_116 = tpu.memref_slice %arg5[%mul3A_115] : memref<4192256xf32, #tpu.memory_space<hbm>> -> memref<4096xf32, #tpu.memory_space<hbm>>
      tpu.enqueue_dma source(%arg13 : memref<4096xf32, #tpu.memory_space<vmem>>) target(%dma_start3A_116 : memref<4096xf32, #tpu.memory_space<hbm>>) target_semaphore(%arg23 : memref<!tpu.dma_semaphore, #tpu.memory_space<semaphore_mem>>)
      %dma_start3A_117 = tpu.memref_slice %arg6[%mul3A_115] : memref<4192256xf32, #tpu.memory_space<hbm>> -> memref<4096xf32, #tpu.memory_space<hbm>>
      %dma_start3A_118 = tpu.memref_slice %arg6[%mul3A_115] : memref<4192256xf32, #tpu.memory_space<hbm>> -> memref<4096xf32, #tpu.memory_space<hbm>>
      tpu.enqueue_dma source(%arg14 : memref<4096xf32, #tpu.memory_space<vmem>>) target(%dma_start3A_118 : memref<4096xf32, #tpu.memory_space<hbm>>) target_semaphore(%arg23 : memref<!tpu.dma_semaphore, #tpu.memory_space<semaphore_mem>>)
      %dma_start3A_119 = tpu.memref_slice %arg7[%mul3A_115] : memref<4192256xf32, #tpu.memory_space<hbm>> -> memref<4096xf32, #tpu.memory_space<hbm>>
      %dma_start3A_120 = tpu.memref_slice %arg7[%mul3A_115] : memref<4192256xf32, #tpu.memory_space<hbm>> -> memref<4096xf32, #tpu.memory_space<hbm>>
      tpu.enqueue_dma source(%arg15 : memref<4096xf32, #tpu.memory_space<vmem>>) target(%dma_start3A_120 : memref<4096xf32, #tpu.memory_space<hbm>>) target_semaphore(%arg23 : memref<!tpu.dma_semaphore, #tpu.memory_space<semaphore_mem>>)
      %dma_start3A_121 = tpu.memref_slice %arg8[%mul3A_115] : memref<4192256xf32, #tpu.memory_space<hbm>> -> memref<4096xf32, #tpu.memory_space<hbm>>
      %dma_start3A_122 = tpu.memref_slice %arg8[%mul3A_115] : memref<4192256xf32, #tpu.memory_space<hbm>> -> memref<4096xf32, #tpu.memory_space<hbm>>
      tpu.enqueue_dma source(%arg16 : memref<4096xf32, #tpu.memory_space<vmem>>) target(%dma_start3A_122 : memref<4096xf32, #tpu.memory_space<hbm>>) target_semaphore(%arg23 : memref<!tpu.dma_semaphore, #tpu.memory_space<semaphore_mem>>)
      %dma_start3A_123 = tpu.memref_slice %arg9[%mul3A_115] : memref<4192256xi32, #tpu.memory_space<hbm>> -> memref<4096xi32, #tpu.memory_space<hbm>>
      %dma_start3A_124 = tpu.memref_slice %arg9[%mul3A_115] : memref<4192256xi32, #tpu.memory_space<hbm>> -> memref<4096xi32, #tpu.memory_space<hbm>>
      tpu.enqueue_dma source(%arg17 : memref<4096xi32, #tpu.memory_space<vmem>>) target(%dma_start3A_124 : memref<4096xi32, #tpu.memory_space<hbm>>) target_semaphore(%arg23 : memref<!tpu.dma_semaphore, #tpu.memory_space<semaphore_mem>>)
      %mul3A_125 = arith.constant 2 : i32
      %mul3A_126 = arith.muli %mul3A_125, %scan3A_50 : i32
      %add3A_127 = arith.constant 1 : i32
      %add3A_128 = arith.addi %mul3A_126, %add3A_127 : i32
      %mul3A_129 = arith.constant 2 : i32
      %mul3A_130 = arith.muli %mul3A_129, %add3A_128 : i32
      %add3A_131 = arith.addi %mul3A_4, %mul3A_130 : i32
      %min3A_132 = arith.constant 2045 : i32
      %min3A_133 = arith.minsi %add3A_131, %min3A_132 : i32
      %gt3A_134 = arith.constant 0 : i32
      %gt3A_135 = arith.cmpi sgt, %scan3A_50, %gt3A_134 : i32
      %convert_element_type3A_136 = arith.extui %gt3A_135 : i1 to i32
      %cond3A_137 = arith.constant 0 : i32
      %cond3A_138 = arith.cmpi ne, %convert_element_type3A_136, %cond3A_137 : i32
      scf.if %cond3A_138 {
        %dma_wait3A_210 = arith.constant 0 : i32
        %dma_wait3A_211 = tpu.memref_slice %arg5[%dma_wait3A_210] : memref<4192256xf32, #tpu.memory_space<hbm>> -> memref<4096xf32, #tpu.memory_space<hbm>>
        %dma_wait3A_212 = arith.constant 0 : i32
        %dma_wait3A_213 = tpu.memref_slice %arg5[%dma_wait3A_212] : memref<4192256xf32, #tpu.memory_space<hbm>> -> memref<4096xf32, #tpu.memory_space<hbm>>
        tpu.wait_dma2 semaphore(%arg24 : memref<!tpu.dma_semaphore, #tpu.memory_space<semaphore_mem>>) src(%arg18 : memref<4096xf32, #tpu.memory_space<vmem>>) dst(%dma_wait3A_213 : memref<4096xf32, #tpu.memory_space<hbm>>)
        %dma_wait3A_214 = arith.constant 0 : i32
        %dma_wait3A_215 = tpu.memref_slice %arg6[%dma_wait3A_214] : memref<4192256xf32, #tpu.memory_space<hbm>> -> memref<4096xf32, #tpu.memory_space<hbm>>
        %dma_wait3A_216 = arith.constant 0 : i32
        %dma_wait3A_217 = tpu.memref_slice %arg6[%dma_wait3A_216] : memref<4192256xf32, #tpu.memory_space<hbm>> -> memref<4096xf32, #tpu.memory_space<hbm>>
        tpu.wait_dma2 semaphore(%arg24 : memref<!tpu.dma_semaphore, #tpu.memory_space<semaphore_mem>>) src(%arg19 : memref<4096xf32, #tpu.memory_space<vmem>>) dst(%dma_wait3A_217 : memref<4096xf32, #tpu.memory_space<hbm>>)
        %dma_wait3A_218 = arith.constant 0 : i32
        %dma_wait3A_219 = tpu.memref_slice %arg7[%dma_wait3A_218] : memref<4192256xf32, #tpu.memory_space<hbm>> -> memref<4096xf32, #tpu.memory_space<hbm>>
        %dma_wait3A_220 = arith.constant 0 : i32
        %dma_wait3A_221 = tpu.memref_slice %arg7[%dma_wait3A_220] : memref<4192256xf32, #tpu.memory_space<hbm>> -> memref<4096xf32, #tpu.memory_space<hbm>>
        tpu.wait_dma2 semaphore(%arg24 : memref<!tpu.dma_semaphore, #tpu.memory_space<semaphore_mem>>) src(%arg20 : memref<4096xf32, #tpu.memory_space<vmem>>) dst(%dma_wait3A_221 : memref<4096xf32, #tpu.memory_space<hbm>>)
        %dma_wait3A_222 = arith.constant 0 : i32
        %dma_wait3A_223 = tpu.memref_slice %arg8[%dma_wait3A_222] : memref<4192256xf32, #tpu.memory_space<hbm>> -> memref<4096xf32, #tpu.memory_space<hbm>>
        %dma_wait3A_224 = arith.constant 0 : i32
        %dma_wait3A_225 = tpu.memref_slice %arg8[%dma_wait3A_224] : memref<4192256xf32, #tpu.memory_space<hbm>> -> memref<4096xf32, #tpu.memory_space<hbm>>
        tpu.wait_dma2 semaphore(%arg24 : memref<!tpu.dma_semaphore, #tpu.memory_space<semaphore_mem>>) src(%arg21 : memref<4096xf32, #tpu.memory_space<vmem>>) dst(%dma_wait3A_225 : memref<4096xf32, #tpu.memory_space<hbm>>)
        %dma_wait3A_226 = arith.constant 0 : i32
        %dma_wait3A_227 = tpu.memref_slice %arg9[%dma_wait3A_226] : memref<4192256xi32, #tpu.memory_space<hbm>> -> memref<4096xi32, #tpu.memory_space<hbm>>
        %dma_wait3A_228 = arith.constant 0 : i32
        %dma_wait3A_229 = tpu.memref_slice %arg9[%dma_wait3A_228] : memref<4192256xi32, #tpu.memory_space<hbm>> -> memref<4096xi32, #tpu.memory_space<hbm>>
        tpu.wait_dma2 semaphore(%arg24 : memref<!tpu.dma_semaphore, #tpu.memory_space<semaphore_mem>>) src(%arg22 : memref<4096xi32, #tpu.memory_space<vmem>>) dst(%dma_wait3A_229 : memref<4096xi32, #tpu.memory_space<hbm>>)
      } else {
      }
      %add3A_139 = arith.constant 0 : i32
      %add3A_140 = arith.addi %min3A_133, %add3A_139 : i32
      %iota3A_141 = tpu.iota {dimensions = array<i32: 0>} : vector<16xi32>
      %broadcast_in_dim3A_142 = arith.constant 1597463007 : i32
      %broadcast_in_dim3A_143 = vector.broadcast %broadcast_in_dim3A_142 : i32 to vector<16xi32>
      %broadcast_in_dim3A_144 = arith.constant 5.000000e-01 : f32
      %broadcast_in_dim3A_145 = vector.broadcast %broadcast_in_dim3A_144 : f32 to vector<16xf32>
      %broadcast_in_dim3A_146 = arith.constant 1.500000e+00 : f32
      %broadcast_in_dim3A_147 = vector.broadcast %broadcast_in_dim3A_146 : f32 to vector<16xf32>
      %broadcast_in_dim3A_148 = arith.constant 1042536203 : i32
      %broadcast_in_dim3A_149 = vector.broadcast %broadcast_in_dim3A_148 : i32 to vector<16xi32>
      %bitcast3A_150 = vector.bitcast %broadcast_in_dim3A_149 : vector<16xi32> to vector<16xf32>
      %broadcast_in_dim3A_151 = arith.constant 1 : i32
      %broadcast_in_dim3A_152 = vector.broadcast %broadcast_in_dim3A_151 : i32 to vector<16xi32>
      %add3A_153 = arith.constant 1 : i32
      %add3A_154 = arith.addi %add3A_140, %add3A_153 : i32
      %broadcast_in_dim3A_155 = vector.broadcast %add3A_140 : i32 to vector<16xi32>
      %add3A_156 = arith.addi %broadcast_in_dim3A_155, %broadcast_in_dim3A_152 : vector<16xi32>
      %gather3A_157 = tpu.vector_load_idx %arg10[%broadcast_in_dim3A_155] : memref<4096xf32, #tpu.memory_space<vmem>>[vector<16xi32>], vector<16xf32>,
      %gather3A_158 = tpu.vector_load_idx %arg11[%broadcast_in_dim3A_155] : memref<4096xf32, #tpu.memory_space<vmem>>[vector<16xi32>], vector<16xf32>,
      %gather3A_159 = tpu.vector_load_idx %arg12[%broadcast_in_dim3A_155] : memref<4096xf32, #tpu.memory_space<vmem>>[vector<16xi32>], vector<16xf32>,
      %gather3A_160 = tpu.vector_load_idx %arg10[%add3A_156] : memref<4096xf32, #tpu.memory_space<vmem>>[vector<16xi32>], vector<16xf32>,
      %gather3A_161 = tpu.vector_load_idx %arg11[%add3A_156] : memref<4096xf32, #tpu.memory_space<vmem>>[vector<16xi32>], vector<16xf32>,
      %gather3A_162 = tpu.vector_load_idx %arg12[%add3A_156] : memref<4096xf32, #tpu.memory_space<vmem>>[vector<16xi32>], vector<16xf32>,
      %sub3A_163 = arith.constant 2047 : i32
      %sub3A_164 = arith.subi %sub3A_163, %add3A_140 : i32
      %parallel_loop3A_165 = arith.constant 0 : i32
      %parallel_loop3A_166 = arith.constant 128 : i32
      %parallel_loop3A_167 = arith.constant 1 : i32
      scf.for %parallel_loop3A_210 = %parallel_loop3A_165 to %parallel_loop3A_166 step %parallel_loop3A_167  : i32 {
        %parallel_loop3A_211 = arith.constant 16 : i32
        %parallel_loop3A_212 = arith.muli %parallel_loop3A_210, %parallel_loop3A_211 : i32
        %parallel_loop3A_213 = vector.broadcast %parallel_loop3A_212 : i32 to vector<16xi32>
        %parallel_loop3A_214 = arith.addi %parallel_loop3A_213, %iota3A_141 : vector<16xi32>
        %parallel_loop3A_215 = vector.broadcast %sub3A_164 : i32 to vector<16xi32>
        %parallel_loop3A_216 = arith.cmpi sge, %parallel_loop3A_214, %parallel_loop3A_215 : vector<16xi32>
        %parallel_loop3A_217 = arith.addi %add3A_154, %parallel_loop3A_212 : i32
        %parallel_loop3A_218 = arith.index_cast %parallel_loop3A_217 : i32 to index
        %parallel_loop3A_219 = tpu.vector_load %arg10[%parallel_loop3A_218] {strides = array<i32>} : memref<4096xf32, #tpu.memory_space<vmem>>, vector<16xf32>,
        %parallel_loop3A_220 = arith.addi %add3A_154, %parallel_loop3A_212 : i32
        %parallel_loop3A_221 = arith.index_cast %parallel_loop3A_220 : i32 to index
        %parallel_loop3A_222 = tpu.vector_load %arg11[%parallel_loop3A_221] {strides = array<i32>} : memref<4096xf32, #tpu.memory_space<vmem>>, vector<16xf32>,
        %parallel_loop3A_223 = arith.addi %add3A_154, %parallel_loop3A_212 : i32
        %parallel_loop3A_224 = arith.index_cast %parallel_loop3A_223 : i32 to index
        %parallel_loop3A_225 = tpu.vector_load %arg12[%parallel_loop3A_224] {strides = array<i32>} : memref<4096xf32, #tpu.memory_space<vmem>>, vector<16xf32>,
        %parallel_loop3A_226 = arith.select %parallel_loop3A_216, %gather3A_160, %gather3A_157 : vector<16xi1>, vector<16xf32>
        %parallel_loop3A_227 = arith.subf %parallel_loop3A_226, %parallel_loop3A_219 : vector<16xf32>
        %parallel_loop3A_228 = arith.select %parallel_loop3A_216, %gather3A_161, %gather3A_158 : vector<16xi1>, vector<16xf32>
        %parallel_loop3A_229 = arith.subf %parallel_loop3A_228, %parallel_loop3A_222 : vector<16xf32>
        %parallel_loop3A_230 = arith.select %parallel_loop3A_216, %gather3A_162, %gather3A_159 : vector<16xi1>, vector<16xf32>
        %parallel_loop3A_231 = arith.subf %parallel_loop3A_230, %parallel_loop3A_225 : vector<16xf32>
        %parallel_loop3A_232 = arith.mulf %parallel_loop3A_227, %parallel_loop3A_227 : vector<16xf32>
        %parallel_loop3A_233 = arith.mulf %parallel_loop3A_229, %parallel_loop3A_229 : vector<16xf32>
        %parallel_loop3A_234 = arith.addf %parallel_loop3A_232, %parallel_loop3A_233 : vector<16xf32>
        %parallel_loop3A_235 = arith.mulf %parallel_loop3A_231, %parallel_loop3A_231 : vector<16xf32>
        %parallel_loop3A_236 = arith.addf %parallel_loop3A_234, %parallel_loop3A_235 : vector<16xf32>
        %parallel_loop3A_237 = vector.bitcast %parallel_loop3A_236 : vector<16xf32> to vector<16xi32>
        %parallel_loop3A_238 = arith.constant 1 : i32
        %parallel_loop3A_239 = vector.broadcast %parallel_loop3A_238 : i32 to vector<16xi32>
        %parallel_loop3A_240 = arith.shrsi %parallel_loop3A_237, %parallel_loop3A_239 : vector<16xi32>
        %parallel_loop3A_241 = arith.subi %broadcast_in_dim3A_143, %parallel_loop3A_240 : vector<16xi32>
        %parallel_loop3A_242 = vector.bitcast %parallel_loop3A_241 : vector<16xi32> to vector<16xf32>
        %parallel_loop3A_243 = arith.mulf %broadcast_in_dim3A_145, %parallel_loop3A_236 : vector<16xf32>
        %parallel_loop3A_244 = arith.mulf %parallel_loop3A_243, %parallel_loop3A_242 : vector<16xf32>
        %parallel_loop3A_245 = arith.mulf %parallel_loop3A_244, %parallel_loop3A_242 : vector<16xf32>
        %parallel_loop3A_246 = arith.subf %broadcast_in_dim3A_147, %parallel_loop3A_245 : vector<16xf32>
        %parallel_loop3A_247 = arith.mulf %parallel_loop3A_242, %parallel_loop3A_246 : vector<16xf32>
        %parallel_loop3A_248 = arith.mulf %parallel_loop3A_243, %parallel_loop3A_247 : vector<16xf32>
        %parallel_loop3A_249 = arith.mulf %parallel_loop3A_248, %parallel_loop3A_247 : vector<16xf32>
        %parallel_loop3A_250 = arith.subf %broadcast_in_dim3A_147, %parallel_loop3A_249 : vector<16xf32>
        %parallel_loop3A_251 = arith.mulf %parallel_loop3A_247, %parallel_loop3A_250 : vector<16xf32>
        %parallel_loop3A_252 = arith.mulf %parallel_loop3A_236, %parallel_loop3A_251 : vector<16xf32>
        %parallel_loop3A_253 = arith.cmpf ole, %parallel_loop3A_236, %bitcast3A_150 : vector<16xf32>
        %parallel_loop3A_254 = arith.extui %parallel_loop3A_253 : vector<16xi1> to vector<16xi32>
        %parallel_loop3A_255 = arith.constant 0 : i32
        %parallel_loop3A_256 = arith.addi %parallel_loop3A_255, %parallel_loop3A_212 : i32
        %parallel_loop3A_257 = arith.index_cast %parallel_loop3A_256 : i32 to index
        %parallel_loop3A_258 = tpu.vector_load %arg18[%parallel_loop3A_257] {strides = array<i32>} : memref<4096xf32, #tpu.memory_space<vmem>>, vector<16xf32>,
        tpu.vector_store %arg18[%parallel_loop3A_257], %parallel_loop3A_227 {strides = array<i32>} : memref<4096xf32, #tpu.memory_space<vmem>>, vector<16xf32>,
        %parallel_loop3A_259 = arith.constant 0 : i32
        %parallel_loop3A_260 = arith.addi %parallel_loop3A_259, %parallel_loop3A_212 : i32
        %parallel_loop3A_261 = arith.index_cast %parallel_loop3A_260 : i32 to index
        %parallel_loop3A_262 = tpu.vector_load %arg19[%parallel_loop3A_261] {strides = array<i32>} : memref<4096xf32, #tpu.memory_space<vmem>>, vector<16xf32>,
        tpu.vector_store %arg19[%parallel_loop3A_261], %parallel_loop3A_229 {strides = array<i32>} : memref<4096xf32, #tpu.memory_space<vmem>>, vector<16xf32>,
        %parallel_loop3A_263 = arith.constant 0 : i32
        %parallel_loop3A_264 = arith.addi %parallel_loop3A_263, %parallel_loop3A_212 : i32
        %parallel_loop3A_265 = arith.index_cast %parallel_loop3A_264 : i32 to index
        %parallel_loop3A_266 = tpu.vector_load %arg20[%parallel_loop3A_265] {strides = array<i32>} : memref<4096xf32, #tpu.memory_space<vmem>>, vector<16xf32>,
        tpu.vector_store %arg20[%parallel_loop3A_265], %parallel_loop3A_231 {strides = array<i32>} : memref<4096xf32, #tpu.memory_space<vmem>>, vector<16xf32>,
        %parallel_loop3A_267 = arith.constant 0 : i32
        %parallel_loop3A_268 = arith.addi %parallel_loop3A_267, %parallel_loop3A_212 : i32
        %parallel_loop3A_269 = arith.index_cast %parallel_loop3A_268 : i32 to index
        %parallel_loop3A_270 = tpu.vector_load %arg21[%parallel_loop3A_269] {strides = array<i32>} : memref<4096xf32, #tpu.memory_space<vmem>>, vector<16xf32>,
        tpu.vector_store %arg21[%parallel_loop3A_269], %parallel_loop3A_252 {strides = array<i32>} : memref<4096xf32, #tpu.memory_space<vmem>>, vector<16xf32>,
        %parallel_loop3A_271 = arith.constant 0 : i32
        %parallel_loop3A_272 = arith.addi %parallel_loop3A_271, %parallel_loop3A_212 : i32
        %parallel_loop3A_273 = arith.index_cast %parallel_loop3A_272 : i32 to index
        %parallel_loop3A_274 = tpu.vector_load %arg22[%parallel_loop3A_273] {strides = array<i32>} : memref<4096xi32, #tpu.memory_space<vmem>>, vector<16xi32>,
        tpu.vector_store %arg22[%parallel_loop3A_273], %parallel_loop3A_254 {strides = array<i32>} : memref<4096xi32, #tpu.memory_space<vmem>>, vector<16xi32>,
      } {sc.loop_unroll_factor = 8 : i64, sc.parallel_access}
      %add3A_168 = arith.constant 1 : i32
      %add3A_169 = arith.addi %min3A_133, %add3A_168 : i32
      %iota3A_170 = tpu.iota {dimensions = array<i32: 0>} : vector<16xi32>
      %broadcast_in_dim3A_171 = arith.constant 1597463007 : i32
      %broadcast_in_dim3A_172 = vector.broadcast %broadcast_in_dim3A_171 : i32 to vector<16xi32>
      %broadcast_in_dim3A_173 = arith.constant 5.000000e-01 : f32
      %broadcast_in_dim3A_174 = vector.broadcast %broadcast_in_dim3A_173 : f32 to vector<16xf32>
      %broadcast_in_dim3A_175 = arith.constant 1.500000e+00 : f32
      %broadcast_in_dim3A_176 = vector.broadcast %broadcast_in_dim3A_175 : f32 to vector<16xf32>
      %broadcast_in_dim3A_177 = arith.constant 1042536203 : i32
      %broadcast_in_dim3A_178 = vector.broadcast %broadcast_in_dim3A_177 : i32 to vector<16xi32>
      %bitcast3A_179 = vector.bitcast %broadcast_in_dim3A_178 : vector<16xi32> to vector<16xf32>
      %broadcast_in_dim3A_180 = arith.constant 1 : i32
      %broadcast_in_dim3A_181 = vector.broadcast %broadcast_in_dim3A_180 : i32 to vector<16xi32>
      %add3A_182 = arith.constant 1 : i32
      %add3A_183 = arith.addi %add3A_169, %add3A_182 : i32
      %broadcast_in_dim3A_184 = vector.broadcast %add3A_169 : i32 to vector<16xi32>
      %add3A_185 = arith.addi %broadcast_in_dim3A_184, %broadcast_in_dim3A_181 : vector<16xi32>
      %gather3A_186 = tpu.vector_load_idx %arg10[%broadcast_in_dim3A_184] : memref<4096xf32, #tpu.memory_space<vmem>>[vector<16xi32>], vector<16xf32>,
      %gather3A_187 = tpu.vector_load_idx %arg11[%broadcast_in_dim3A_184] : memref<4096xf32, #tpu.memory_space<vmem>>[vector<16xi32>], vector<16xf32>,
      %gather3A_188 = tpu.vector_load_idx %arg12[%broadcast_in_dim3A_184] : memref<4096xf32, #tpu.memory_space<vmem>>[vector<16xi32>], vector<16xf32>,
      %gather3A_189 = tpu.vector_load_idx %arg10[%add3A_185] : memref<4096xf32, #tpu.memory_space<vmem>>[vector<16xi32>], vector<16xf32>,
      %gather3A_190 = tpu.vector_load_idx %arg11[%add3A_185] : memref<4096xf32, #tpu.memory_space<vmem>>[vector<16xi32>], vector<16xf32>,
      %gather3A_191 = tpu.vector_load_idx %arg12[%add3A_185] : memref<4096xf32, #tpu.memory_space<vmem>>[vector<16xi32>], vector<16xf32>,
      %sub3A_192 = arith.constant 2047 : i32
      %sub3A_193 = arith.subi %sub3A_192, %add3A_169 : i32
      %parallel_loop3A_194 = arith.constant 0 : i32
      %parallel_loop3A_195 = arith.constant 128 : i32
      %parallel_loop3A_196 = arith.constant 1 : i32
      scf.for %parallel_loop3A_210 = %parallel_loop3A_194 to %parallel_loop3A_195 step %parallel_loop3A_196  : i32 {
        %parallel_loop3A_211 = arith.constant 16 : i32
        %parallel_loop3A_212 = arith.muli %parallel_loop3A_210, %parallel_loop3A_211 : i32
        %parallel_loop3A_213 = vector.broadcast %parallel_loop3A_212 : i32 to vector<16xi32>
        %parallel_loop3A_214 = arith.addi %parallel_loop3A_213, %iota3A_170 : vector<16xi32>
        %parallel_loop3A_215 = vector.broadcast %sub3A_193 : i32 to vector<16xi32>
        %parallel_loop3A_216 = arith.cmpi sge, %parallel_loop3A_214, %parallel_loop3A_215 : vector<16xi32>
        %parallel_loop3A_217 = arith.addi %add3A_183, %parallel_loop3A_212 : i32
        %parallel_loop3A_218 = arith.index_cast %parallel_loop3A_217 : i32 to index
        %parallel_loop3A_219 = tpu.vector_load %arg10[%parallel_loop3A_218] {strides = array<i32>} : memref<4096xf32, #tpu.memory_space<vmem>>, vector<16xf32>,
        %parallel_loop3A_220 = arith.addi %add3A_183, %parallel_loop3A_212 : i32
        %parallel_loop3A_221 = arith.index_cast %parallel_loop3A_220 : i32 to index
        %parallel_loop3A_222 = tpu.vector_load %arg11[%parallel_loop3A_221] {strides = array<i32>} : memref<4096xf32, #tpu.memory_space<vmem>>, vector<16xf32>,
        %parallel_loop3A_223 = arith.addi %add3A_183, %parallel_loop3A_212 : i32
        %parallel_loop3A_224 = arith.index_cast %parallel_loop3A_223 : i32 to index
        %parallel_loop3A_225 = tpu.vector_load %arg12[%parallel_loop3A_224] {strides = array<i32>} : memref<4096xf32, #tpu.memory_space<vmem>>, vector<16xf32>,
        %parallel_loop3A_226 = arith.select %parallel_loop3A_216, %gather3A_189, %gather3A_186 : vector<16xi1>, vector<16xf32>
        %parallel_loop3A_227 = arith.subf %parallel_loop3A_226, %parallel_loop3A_219 : vector<16xf32>
        %parallel_loop3A_228 = arith.select %parallel_loop3A_216, %gather3A_190, %gather3A_187 : vector<16xi1>, vector<16xf32>
        %parallel_loop3A_229 = arith.subf %parallel_loop3A_228, %parallel_loop3A_222 : vector<16xf32>
        %parallel_loop3A_230 = arith.select %parallel_loop3A_216, %gather3A_191, %gather3A_188 : vector<16xi1>, vector<16xf32>
        %parallel_loop3A_231 = arith.subf %parallel_loop3A_230, %parallel_loop3A_225 : vector<16xf32>
        %parallel_loop3A_232 = arith.mulf %parallel_loop3A_227, %parallel_loop3A_227 : vector<16xf32>
        %parallel_loop3A_233 = arith.mulf %parallel_loop3A_229, %parallel_loop3A_229 : vector<16xf32>
        %parallel_loop3A_234 = arith.addf %parallel_loop3A_232, %parallel_loop3A_233 : vector<16xf32>
        %parallel_loop3A_235 = arith.mulf %parallel_loop3A_231, %parallel_loop3A_231 : vector<16xf32>
        %parallel_loop3A_236 = arith.addf %parallel_loop3A_234, %parallel_loop3A_235 : vector<16xf32>
        %parallel_loop3A_237 = vector.bitcast %parallel_loop3A_236 : vector<16xf32> to vector<16xi32>
        %parallel_loop3A_238 = arith.constant 1 : i32
        %parallel_loop3A_239 = vector.broadcast %parallel_loop3A_238 : i32 to vector<16xi32>
        %parallel_loop3A_240 = arith.shrsi %parallel_loop3A_237, %parallel_loop3A_239 : vector<16xi32>
        %parallel_loop3A_241 = arith.subi %broadcast_in_dim3A_172, %parallel_loop3A_240 : vector<16xi32>
        %parallel_loop3A_242 = vector.bitcast %parallel_loop3A_241 : vector<16xi32> to vector<16xf32>
        %parallel_loop3A_243 = arith.mulf %broadcast_in_dim3A_174, %parallel_loop3A_236 : vector<16xf32>
        %parallel_loop3A_244 = arith.mulf %parallel_loop3A_243, %parallel_loop3A_242 : vector<16xf32>
        %parallel_loop3A_245 = arith.mulf %parallel_loop3A_244, %parallel_loop3A_242 : vector<16xf32>
        %parallel_loop3A_246 = arith.subf %broadcast_in_dim3A_176, %parallel_loop3A_245 : vector<16xf32>
        %parallel_loop3A_247 = arith.mulf %parallel_loop3A_242, %parallel_loop3A_246 : vector<16xf32>
        %parallel_loop3A_248 = arith.mulf %parallel_loop3A_243, %parallel_loop3A_247 : vector<16xf32>
        %parallel_loop3A_249 = arith.mulf %parallel_loop3A_248, %parallel_loop3A_247 : vector<16xf32>
        %parallel_loop3A_250 = arith.subf %broadcast_in_dim3A_176, %parallel_loop3A_249 : vector<16xf32>
        %parallel_loop3A_251 = arith.mulf %parallel_loop3A_247, %parallel_loop3A_250 : vector<16xf32>
        %parallel_loop3A_252 = arith.mulf %parallel_loop3A_236, %parallel_loop3A_251 : vector<16xf32>
        %parallel_loop3A_253 = arith.cmpf ole, %parallel_loop3A_236, %bitcast3A_179 : vector<16xf32>
        %parallel_loop3A_254 = arith.extui %parallel_loop3A_253 : vector<16xi1> to vector<16xi32>
        %parallel_loop3A_255 = arith.constant 2048 : i32
        %parallel_loop3A_256 = arith.addi %parallel_loop3A_255, %parallel_loop3A_212 : i32
        %parallel_loop3A_257 = arith.index_cast %parallel_loop3A_256 : i32 to index
        %parallel_loop3A_258 = tpu.vector_load %arg18[%parallel_loop3A_257] {strides = array<i32>} : memref<4096xf32, #tpu.memory_space<vmem>>, vector<16xf32>,
        tpu.vector_store %arg18[%parallel_loop3A_257], %parallel_loop3A_227 {strides = array<i32>} : memref<4096xf32, #tpu.memory_space<vmem>>, vector<16xf32>,
        %parallel_loop3A_259 = arith.constant 2048 : i32
        %parallel_loop3A_260 = arith.addi %parallel_loop3A_259, %parallel_loop3A_212 : i32
        %parallel_loop3A_261 = arith.index_cast %parallel_loop3A_260 : i32 to index
        %parallel_loop3A_262 = tpu.vector_load %arg19[%parallel_loop3A_261] {strides = array<i32>} : memref<4096xf32, #tpu.memory_space<vmem>>, vector<16xf32>,
        tpu.vector_store %arg19[%parallel_loop3A_261], %parallel_loop3A_229 {strides = array<i32>} : memref<4096xf32, #tpu.memory_space<vmem>>, vector<16xf32>,
        %parallel_loop3A_263 = arith.constant 2048 : i32
        %parallel_loop3A_264 = arith.addi %parallel_loop3A_263, %parallel_loop3A_212 : i32
        %parallel_loop3A_265 = arith.index_cast %parallel_loop3A_264 : i32 to index
        %parallel_loop3A_266 = tpu.vector_load %arg20[%parallel_loop3A_265] {strides = array<i32>} : memref<4096xf32, #tpu.memory_space<vmem>>, vector<16xf32>,
        tpu.vector_store %arg20[%parallel_loop3A_265], %parallel_loop3A_231 {strides = array<i32>} : memref<4096xf32, #tpu.memory_space<vmem>>, vector<16xf32>,
        %parallel_loop3A_267 = arith.constant 2048 : i32
        %parallel_loop3A_268 = arith.addi %parallel_loop3A_267, %parallel_loop3A_212 : i32
        %parallel_loop3A_269 = arith.index_cast %parallel_loop3A_268 : i32 to index
        %parallel_loop3A_270 = tpu.vector_load %arg21[%parallel_loop3A_269] {strides = array<i32>} : memref<4096xf32, #tpu.memory_space<vmem>>, vector<16xf32>,
        tpu.vector_store %arg21[%parallel_loop3A_269], %parallel_loop3A_252 {strides = array<i32>} : memref<4096xf32, #tpu.memory_space<vmem>>, vector<16xf32>,
        %parallel_loop3A_271 = arith.constant 2048 : i32
        %parallel_loop3A_272 = arith.addi %parallel_loop3A_271, %parallel_loop3A_212 : i32
        %parallel_loop3A_273 = arith.index_cast %parallel_loop3A_272 : i32 to index
        %parallel_loop3A_274 = tpu.vector_load %arg22[%parallel_loop3A_273] {strides = array<i32>} : memref<4096xi32, #tpu.memory_space<vmem>>, vector<16xi32>,
        tpu.vector_store %arg22[%parallel_loop3A_273], %parallel_loop3A_254 {strides = array<i32>} : memref<4096xi32, #tpu.memory_space<vmem>>, vector<16xi32>,
      } {sc.loop_unroll_factor = 8 : i64, sc.parallel_access}
      %mul3A_197 = arith.constant 2048 : i32
      %mul3A_198 = arith.muli %min3A_133, %mul3A_197 : i32
      %dma_start3A_199 = tpu.memref_slice %arg5[%mul3A_198] : memref<4192256xf32, #tpu.memory_space<hbm>> -> memref<4096xf32, #tpu.memory_space<hbm>>
      %dma_start3A_200 = tpu.memref_slice %arg5[%mul3A_198] : memref<4192256xf32, #tpu.memory_space<hbm>> -> memref<4096xf32, #tpu.memory_space<hbm>>
      tpu.enqueue_dma source(%arg18 : memref<4096xf32, #tpu.memory_space<vmem>>) target(%dma_start3A_200 : memref<4096xf32, #tpu.memory_space<hbm>>) target_semaphore(%arg24 : memref<!tpu.dma_semaphore, #tpu.memory_space<semaphore_mem>>)
      %dma_start3A_201 = tpu.memref_slice %arg6[%mul3A_198] : memref<4192256xf32, #tpu.memory_space<hbm>> -> memref<4096xf32, #tpu.memory_space<hbm>>
      %dma_start3A_202 = tpu.memref_slice %arg6[%mul3A_198] : memref<4192256xf32, #tpu.memory_space<hbm>> -> memref<4096xf32, #tpu.memory_space<hbm>>
      tpu.enqueue_dma source(%arg19 : memref<4096xf32, #tpu.memory_space<vmem>>) target(%dma_start3A_202 : memref<4096xf32, #tpu.memory_space<hbm>>) target_semaphore(%arg24 : memref<!tpu.dma_semaphore, #tpu.memory_space<semaphore_mem>>)
      %dma_start3A_203 = tpu.memref_slice %arg7[%mul3A_198] : memref<4192256xf32, #tpu.memory_space<hbm>> -> memref<4096xf32, #tpu.memory_space<hbm>>
      %dma_start3A_204 = tpu.memref_slice %arg7[%mul3A_198] : memref<4192256xf32, #tpu.memory_space<hbm>> -> memref<4096xf32, #tpu.memory_space<hbm>>
      tpu.enqueue_dma source(%arg20 : memref<4096xf32, #tpu.memory_space<vmem>>) target(%dma_start3A_204 : memref<4096xf32, #tpu.memory_space<hbm>>) target_semaphore(%arg24 : memref<!tpu.dma_semaphore, #tpu.memory_space<semaphore_mem>>)
      %dma_start3A_205 = tpu.memref_slice %arg8[%mul3A_198] : memref<4192256xf32, #tpu.memory_space<hbm>> -> memref<4096xf32, #tpu.memory_space<hbm>>
      %dma_start3A_206 = tpu.memref_slice %arg8[%mul3A_198] : memref<4192256xf32, #tpu.memory_space<hbm>> -> memref<4096xf32, #tpu.memory_space<hbm>>
      tpu.enqueue_dma source(%arg21 : memref<4096xf32, #tpu.memory_space<vmem>>) target(%dma_start3A_206 : memref<4096xf32, #tpu.memory_space<hbm>>) target_semaphore(%arg24 : memref<!tpu.dma_semaphore, #tpu.memory_space<semaphore_mem>>)
      %dma_start3A_207 = tpu.memref_slice %arg9[%mul3A_198] : memref<4192256xi32, #tpu.memory_space<hbm>> -> memref<4096xi32, #tpu.memory_space<hbm>>
      %dma_start3A_208 = tpu.memref_slice %arg9[%mul3A_198] : memref<4192256xi32, #tpu.memory_space<hbm>> -> memref<4096xi32, #tpu.memory_space<hbm>>
      tpu.enqueue_dma source(%arg22 : memref<4096xi32, #tpu.memory_space<vmem>>) target(%dma_start3A_208 : memref<4096xi32, #tpu.memory_space<hbm>>) target_semaphore(%arg24 : memref<!tpu.dma_semaphore, #tpu.memory_space<semaphore_mem>>)
      %scan3A_209 = arith.constant 0 : i32
      scf.yield %scan3A_209 : i32
    }
    %scan3A_10 = arith.constant 16 : i32
    %dma_wait3A = arith.constant 0 : i32
    %dma_wait3A_11 = tpu.memref_slice %arg5[%dma_wait3A] : memref<4192256xf32, #tpu.memory_space<hbm>> -> memref<4096xf32, #tpu.memory_space<hbm>>
    %dma_wait3A_12 = arith.constant 0 : i32
    %dma_wait3A_13 = tpu.memref_slice %arg5[%dma_wait3A_12] : memref<4192256xf32, #tpu.memory_space<hbm>> -> memref<4096xf32, #tpu.memory_space<hbm>>
    tpu.wait_dma2 semaphore(%arg23 : memref<!tpu.dma_semaphore, #tpu.memory_space<semaphore_mem>>) src(%arg13 : memref<4096xf32, #tpu.memory_space<vmem>>) dst(%dma_wait3A_13 : memref<4096xf32, #tpu.memory_space<hbm>>)
    %dma_wait3A_14 = arith.constant 0 : i32
    %dma_wait3A_15 = tpu.memref_slice %arg6[%dma_wait3A_14] : memref<4192256xf32, #tpu.memory_space<hbm>> -> memref<4096xf32, #tpu.memory_space<hbm>>
    %dma_wait3A_16 = arith.constant 0 : i32
    %dma_wait3A_17 = tpu.memref_slice %arg6[%dma_wait3A_16] : memref<4192256xf32, #tpu.memory_space<hbm>> -> memref<4096xf32, #tpu.memory_space<hbm>>
    tpu.wait_dma2 semaphore(%arg23 : memref<!tpu.dma_semaphore, #tpu.memory_space<semaphore_mem>>) src(%arg14 : memref<4096xf32, #tpu.memory_space<vmem>>) dst(%dma_wait3A_17 : memref<4096xf32, #tpu.memory_space<hbm>>)
    %dma_wait3A_18 = arith.constant 0 : i32
    %dma_wait3A_19 = tpu.memref_slice %arg7[%dma_wait3A_18] : memref<4192256xf32, #tpu.memory_space<hbm>> -> memref<4096xf32, #tpu.memory_space<hbm>>
    %dma_wait3A_20 = arith.constant 0 : i32
    %dma_wait3A_21 = tpu.memref_slice %arg7[%dma_wait3A_20] : memref<4192256xf32, #tpu.memory_space<hbm>> -> memref<4096xf32, #tpu.memory_space<hbm>>
    tpu.wait_dma2 semaphore(%arg23 : memref<!tpu.dma_semaphore, #tpu.memory_space<semaphore_mem>>) src(%arg15 : memref<4096xf32, #tpu.memory_space<vmem>>) dst(%dma_wait3A_21 : memref<4096xf32, #tpu.memory_space<hbm>>)
    %dma_wait3A_22 = arith.constant 0 : i32
    %dma_wait3A_23 = tpu.memref_slice %arg8[%dma_wait3A_22] : memref<4192256xf32, #tpu.memory_space<hbm>> -> memref<4096xf32, #tpu.memory_space<hbm>>
    %dma_wait3A_24 = arith.constant 0 : i32
    %dma_wait3A_25 = tpu.memref_slice %arg8[%dma_wait3A_24] : memref<4192256xf32, #tpu.memory_space<hbm>> -> memref<4096xf32, #tpu.memory_space<hbm>>
    tpu.wait_dma2 semaphore(%arg23 : memref<!tpu.dma_semaphore, #tpu.memory_space<semaphore_mem>>) src(%arg16 : memref<4096xf32, #tpu.memory_space<vmem>>) dst(%dma_wait3A_25 : memref<4096xf32, #tpu.memory_space<hbm>>)
    %dma_wait3A_26 = arith.constant 0 : i32
    %dma_wait3A_27 = tpu.memref_slice %arg9[%dma_wait3A_26] : memref<4192256xi32, #tpu.memory_space<hbm>> -> memref<4096xi32, #tpu.memory_space<hbm>>
    %dma_wait3A_28 = arith.constant 0 : i32
    %dma_wait3A_29 = tpu.memref_slice %arg9[%dma_wait3A_28] : memref<4192256xi32, #tpu.memory_space<hbm>> -> memref<4096xi32, #tpu.memory_space<hbm>>
    tpu.wait_dma2 semaphore(%arg23 : memref<!tpu.dma_semaphore, #tpu.memory_space<semaphore_mem>>) src(%arg17 : memref<4096xi32, #tpu.memory_space<vmem>>) dst(%dma_wait3A_29 : memref<4096xi32, #tpu.memory_space<hbm>>)
    %dma_wait3A_30 = arith.constant 0 : i32
    %dma_wait3A_31 = tpu.memref_slice %arg5[%dma_wait3A_30] : memref<4192256xf32, #tpu.memory_space<hbm>> -> memref<4096xf32, #tpu.memory_space<hbm>>
    %dma_wait3A_32 = arith.constant 0 : i32
    %dma_wait3A_33 = tpu.memref_slice %arg5[%dma_wait3A_32] : memref<4192256xf32, #tpu.memory_space<hbm>> -> memref<4096xf32, #tpu.memory_space<hbm>>
    tpu.wait_dma2 semaphore(%arg24 : memref<!tpu.dma_semaphore, #tpu.memory_space<semaphore_mem>>) src(%arg18 : memref<4096xf32, #tpu.memory_space<vmem>>) dst(%dma_wait3A_33 : memref<4096xf32, #tpu.memory_space<hbm>>)
    %dma_wait3A_34 = arith.constant 0 : i32
    %dma_wait3A_35 = tpu.memref_slice %arg6[%dma_wait3A_34] : memref<4192256xf32, #tpu.memory_space<hbm>> -> memref<4096xf32, #tpu.memory_space<hbm>>
    %dma_wait3A_36 = arith.constant 0 : i32
    %dma_wait3A_37 = tpu.memref_slice %arg6[%dma_wait3A_36] : memref<4192256xf32, #tpu.memory_space<hbm>> -> memref<4096xf32, #tpu.memory_space<hbm>>
    tpu.wait_dma2 semaphore(%arg24 : memref<!tpu.dma_semaphore, #tpu.memory_space<semaphore_mem>>) src(%arg19 : memref<4096xf32, #tpu.memory_space<vmem>>) dst(%dma_wait3A_37 : memref<4096xf32, #tpu.memory_space<hbm>>)
    %dma_wait3A_38 = arith.constant 0 : i32
    %dma_wait3A_39 = tpu.memref_slice %arg7[%dma_wait3A_38] : memref<4192256xf32, #tpu.memory_space<hbm>> -> memref<4096xf32, #tpu.memory_space<hbm>>
    %dma_wait3A_40 = arith.constant 0 : i32
    %dma_wait3A_41 = tpu.memref_slice %arg7[%dma_wait3A_40] : memref<4192256xf32, #tpu.memory_space<hbm>> -> memref<4096xf32, #tpu.memory_space<hbm>>
    tpu.wait_dma2 semaphore(%arg24 : memref<!tpu.dma_semaphore, #tpu.memory_space<semaphore_mem>>) src(%arg20 : memref<4096xf32, #tpu.memory_space<vmem>>) dst(%dma_wait3A_41 : memref<4096xf32, #tpu.memory_space<hbm>>)
    %dma_wait3A_42 = arith.constant 0 : i32
    %dma_wait3A_43 = tpu.memref_slice %arg8[%dma_wait3A_42] : memref<4192256xf32, #tpu.memory_space<hbm>> -> memref<4096xf32, #tpu.memory_space<hbm>>
    %dma_wait3A_44 = arith.constant 0 : i32
    %dma_wait3A_45 = tpu.memref_slice %arg8[%dma_wait3A_44] : memref<4192256xf32, #tpu.memory_space<hbm>> -> memref<4096xf32, #tpu.memory_space<hbm>>
    tpu.wait_dma2 semaphore(%arg24 : memref<!tpu.dma_semaphore, #tpu.memory_space<semaphore_mem>>) src(%arg21 : memref<4096xf32, #tpu.memory_space<vmem>>) dst(%dma_wait3A_45 : memref<4096xf32, #tpu.memory_space<hbm>>)
    %dma_wait3A_46 = arith.constant 0 : i32
    %dma_wait3A_47 = tpu.memref_slice %arg9[%dma_wait3A_46] : memref<4192256xi32, #tpu.memory_space<hbm>> -> memref<4096xi32, #tpu.memory_space<hbm>>
    %dma_wait3A_48 = arith.constant 0 : i32
    %dma_wait3A_49 = tpu.memref_slice %arg9[%dma_wait3A_48] : memref<4192256xi32, #tpu.memory_space<hbm>> -> memref<4096xi32, #tpu.memory_space<hbm>>
    tpu.wait_dma2 semaphore(%arg24 : memref<!tpu.dma_semaphore, #tpu.memory_space<semaphore_mem>>) src(%arg22 : memref<4096xi32, #tpu.memory_space<vmem>>) dst(%dma_wait3A_49 : memref<4096xi32, #tpu.memory_space<hbm>>)
    return
  }
}

module attributes {stable_mosaic.version = 14 : i64} {
  func.func @_pair_body(%arg0: i32, %arg1: memref<2x131072xi32, #tpu.memory_space<vmem>>) attributes {dimension_semantics = [#tpu.dimension_semantics<arbitrary>], iteration_bounds = array<i64: 32>, scalar_prefetch = 0 : i64, scratch_operands = 0 : i64, tpu.core_type = #tpu.core_type<tc>, window_params = [{transform_indices = @transform_0, window_bounds = array<i64: 2, 131072>}]} {
    %iota3A = tpu.iota {dimensions = array<i32: 1>} : vector<1x131072xi32>
    %mul3A = arith.constant 131072 : i32
    %mul3A_0 = arith.muli %arg0, %mul3A : i32
    %add3A = vector.broadcast %mul3A_0 : i32 to vector<1x131072xi32>
    %add3A_1 = arith.addi %iota3A, %add3A : vector<1x131072xi32>
    %shift_right_arithmetic3A = arith.constant 11 : i32
    %shift_right_arithmetic3A_2 = vector.broadcast %shift_right_arithmetic3A : i32 to vector<1x131072xi32>
    %shift_right_arithmetic3A_3 = arith.shrsi %add3A_1, %shift_right_arithmetic3A_2 : vector<1x131072xi32>
    %add3A_4 = arith.addi %add3A_1, %shift_right_arithmetic3A_3 : vector<1x131072xi32>
    %add3A_5 = arith.constant 1 : i32
    %add3A_6 = vector.broadcast %add3A_5 : i32 to vector<1x131072xi32>
    %add3A_7 = arith.addi %add3A_4, %add3A_6 : vector<1x131072xi32>
    %shift_right_arithmetic3A_8 = arith.constant 11 : i32
    %shift_right_arithmetic3A_9 = vector.broadcast %shift_right_arithmetic3A_8 : i32 to vector<1x131072xi32>
    %shift_right_arithmetic3A_10 = arith.shrsi %add3A_7, %shift_right_arithmetic3A_9 : vector<1x131072xi32>
    %and3A = arith.constant 2047 : i32
    %and3A_11 = vector.broadcast %and3A : i32 to vector<1x131072xi32>
    %and3A_12 = arith.andi %add3A_7, %and3A_11 : vector<1x131072xi32>
    %concatenate3A = tpu.concatenate %shift_right_arithmetic3A_10, %and3A_12 in 0 : vector<1x131072xi32>, vector<1x131072xi32> -> vector<2x131072xi32>
    %swap3A = arith.constant 0 : index
    %swap3A_13 = arith.constant 0 : index
    %swap3A_14 = vector.load %arg1[%swap3A, %swap3A_13] : memref<2x131072xi32, #tpu.memory_space<vmem>>, vector<2x131072xi32>
    tpu.vector_store %arg1[%swap3A, %swap3A_13], %concatenate3A {strides = array<i32>} : memref<2x131072xi32, #tpu.memory_space<vmem>>, vector<2x131072xi32>,
    return
  }
  func.func @transform_0(%arg0: i32) -> (i32, i32) {
    %c0_i32 = arith.constant 0 : i32
    %c0_i32_0 = arith.constant 0 : i32
    return %c0_i32, %arg0 : i32, i32
  }
}

</mosaic_0001>

<sc_bundles>
// kernel: kernel.4.cloned.1.call-start
scs
__scs_entry_jumppad:
0x0: {  	(pc) =	sbr.rel $0x88, $3  }
0x1: {  	(tag) =	ssettag $0x0;
	lr =	simm.s32 $0x1  }
0x2: {  	[smem:$0x3FA0] =	sst lr;
	_ =	strace $0xD0000000  }
0x3: {  	_ = 	snop  }
0x4: {  	_ = 	snop  }
0x5: {  	_ = 	snop  }
0x6: {  	_ = 	snop  }
0x7: {  	_ = 	snop  }
__scs_overlays_trampoline_lowered:
0x8: {  	[smem:$0x3FAF] =	sst s0  }
0x9: {  	[smem:$0x3FB0] =	sst s1  }
0xa: {  	[smem:$0x3FB1] =	sst s2  }
0xb: {  	[smem:$0x3FB2] =	sst s3  }
0xc: {  	[smem:$0x3FB3] =	sst s4  }
0xd: {  	[smem:$0x3FB4] =	sst s5  }
0xe: {  	[smem:$0x3FB5] =	sst s6  }
0xf: {  	[smem:$0x3FB6] =	sst s7  }
0x10: {  	[smem:$0x3FB7] =	sst s8  }
0x11: {  	[smem:$0x3FB8] =	sst s9;
	s0 =	simm.s32 @!p0 $0x0  }
0x12: {  	s1 =	sld [smem:$0x3F9E];
	s0 =	simm.s32 @p0 $0x1  }
0x13: {  	[smem:$0x3FB9] =	sst s0;
	s0 =	simm.s32 @!p1 $0x0  }
0x14: {  	s2 =	sld [smem:$0x3F9D];
	s0 =	simm.s32 @p1 $0x1  }
0x15: {  	[smem:$0x3FBA] =	sst s0;
	s0 =	simm.s32 @!p2 $0x0  }
0x16: {  	s3 =	sld [smem:$0x3FDB];
	s0 =	simm.s32 @p2 $0x1  }
0x17: {  	s4 =	simm.s32 $0x1BF5;
	[smem:$0x3FBC] =	sst s0  }
0x18: {  	s0 =	sld [smem:$0x3F9F];
	_ =	swait.ge [sflag:s4], $0x0  }
0x19: {  	s7 =	sld [smem:$0x3FA0]  }
0x1a: {  	s8 =	sadd.s32 $0xFFFFE003, lr  }
0x1b: {  	s9 =	sadd.s32 $0xFFFFFEF7, lr;
	s5 =	simm.s32 $0xFFFFFFFF;
	p2 =	slt.u32 s8, $0xFFFFF086  }
0x1c: {  	p1 =	slt.u32 s9, $0xF7A;
	s5 =	simm.s32 @!p2 $0x0  }
0x1d: {  	s5 =	simm.s32 @p1 $0x1;
	p0 =	seq.s32 s7, s2  }
0x1e: {  	s7 =	smul.u32 @!p0 $0xF7A, s2;
	p2 =	seq.s32 @!p0 s5, $0x0  }
0x1f: {  	s9 =	smul.u32 $0xF7A, s1;
	s8 =	simm.s32 @!p0 $0x1BF5;
	p2 =	por !p2, p0  }
0x20: {  	[sflag:s8] =	ssyncset.s32 @!p0 $0xFFFFF086;
	s6 =	sadd.s32 @!p0 s3, s7;
	s7 =	simm.s32 @!p0 $0x108  }
0x21: {  	s3 =	sadd.s32 s3, s9;
	s6 =	sadd.s32 @!p0 $0x88, s6;
	s7 =	simm.s32 @p2 $0x1082  }
0x22: {  	[simem:s7], [sflag:s8] =	dma.local @!p0 [hbm:s6], $0xF7A  }
0x23: {  	s9 =	sor.u32 $0xD0000000, s2;
	s6 =	simm.s32 $0x108;
	_ =	swait.ge @!p0 [sflag:s8], $0x0  }
0x24: {  	s3 =	sadd.s32 $0x88, s3;
	s6 =	simm.s32 @!p1 $0x1082;
	[sflag:s4] =	ssyncset.s32 $0xFFFFF086  }
0x25: {  	[simem:s6], [sflag:s4] =	dma.local [hbm:s3], $0xF7A  }
0x26: {  	[smem:$0x3FA0] =	sst s1;
	(tag) =	ssettag s2;
	_ =	strace s9  }
0x27: {  	s1 =	sld [smem:$0x3FB0]  }
0x28: {  	s2 =	sld [smem:$0x3FB1]  }
0x29: {  	s4 =	sld [smem:$0x3FB3]  }
0x2a: {  	p0 =	seq.s32 s5, $0x0;
	s5 =	sld [smem:$0x3FB4]  }
0x2b: {  	s6 =	sld [smem:$0x3FB5]  }
0x2c: {  	s7 =	sld [smem:$0x3FB6]  }
0x2d: {  	s3 =	simm.s32 $0x108;
	s8 =	sld [smem:$0x3FB7]  }
0x2e: {  	s3 =	simm.s32 @!p0 $0x1082;
	s9 =	sld [smem:$0x3FB8]  }
0x2f: {  	lr =	sadd.s32 s0, s3;
	s0 =	sld [smem:$0x3FAF]  }
0x30: {  	s3 =	sld [smem:$0x3FB2]  }
0x31: {  	[smem:$0x3FBB] =	sst s10  }
0x32: {  	s10 =	sld [smem:$0x3FB9];
	_ =	sdelay $0x3  }
0x33: {  	p0 =	seq.s32 s10, $0x1;
	s10 =	sld [smem:$0x3FBB];
	_ =	sdelay $0x3  }
0x34: {  	[smem:$0x3FBB] =	sst s10  }
0x35: {  	s10 =	sld [smem:$0x3FBA];
	_ =	sdelay $0x3  }
0x36: {  	p1 =	seq.s32 s10, $0x1;
	s10 =	sld [smem:$0x3FBB];
	_ =	sdelay $0x3  }
0x37: {  	[smem:$0x3FBB] =	sst s10  }
0x38: {  	s10 =	sld [smem:$0x3FBC]  }
0x39: {  	_ = 	snop;
	(pc) =	sbr.ind lr, $3  }
0x3a: {  	_ = 	snop  }
0x3b: {  	_ = 	snop  }
0x3c: {  	p2 =	seq.s32 s10, $0x1;
	s10 =	sld [smem:$0x3FBB]  }
0x3d: {  	_ =	shalt  }
0x3e: {  	_ =	shalt  }
0x3f: {  	_ =	shalt  }
0x40: {  	_ =	shalt  }
0x41: {  	_ =	shalt  }
0x42: {  	_ =	shalt  }
0x43: {  	_ =	shalt  }
0x44: {  	_ =	shalt  }
0x45: {  	_ =	shalt  }
0x46: {  	_ =	shalt  }
0x47: {  	_ =	shalt  }
0x48: {  	_ =	shalt  }
0x49: {  	_ =	shalt  }
0x4a: {  	_ =	shalt  }
0x4b: {  	_ =	shalt  }
0x4c: {  	_ =	shalt  }
0x4d: {  	_ =	shalt  }
0x4e: {  	_ =	shalt  }
0x4f: {  	_ =	shalt  }
0x50: {  	_ =	shalt  }
0x51: {  	_ =	shalt  }
0x52: {  	_ =	shalt  }
0x53: {  	_ =	shalt  }
0x54: {  	_ =	shalt  }
0x55: {  	_ =	shalt  }
0x56: {  	_ =	shalt  }
0x57: {  	_ =	shalt  }
0x58: {  	_ =	shalt  }
0x59: {  	_ =	shalt  }
0x5a: {  	_ =	shalt  }
0x5b: {  	_ =	shalt  }
0x5c: {  	_ =	shalt  }
0x5d: {  	_ =	shalt  }
0x5e: {  	_ =	shalt  }
0x5f: {  	_ =	shalt  }
0x60: {  	_ =	shalt  }
0x61: {  	_ =	shalt  }
0x62: {  	_ =	shalt  }
0x63: {  	_ =	shalt  }
0x64: {  	_ =	shalt  }
0x65: {  	_ =	shalt  }
0x66: {  	_ =	shalt  }
0x67: {  	_ =	shalt  }
0x68: {  	_ =	shalt  }
0x69: {  	_ =	shalt  }
0x6a: {  	_ =	shalt  }
0x6b: {  	_ =	shalt  }
0x6c: {  	_ =	shalt  }
0x6d: {  	_ =	shalt  }
0x6e: {  	_ =	shalt  }
0x6f: {  	_ =	shalt  }
0x70: {  	_ =	shalt  }
0x71: {  	_ =	shalt  }
0x72: {  	_ =	shalt  }
0x73: {  	_ =	shalt  }
0x74: {  	_ =	shalt  }
0x75: {  	_ =	shalt  }
0x76: {  	_ =	shalt  }
0x77: {  	_ =	shalt  }
0x78: {  	_ =	shalt  }
0x79: {  	_ =	shalt  }
0x7a: {  	_ =	shalt  }
0x7b: {  	_ =	shalt  }
0x7c: {  	_ =	shalt  }
0x7d: {  	_ =	shalt  }
0x7e: {  	_ =	shalt  }
0x7f: {  	_ =	shalt  }
0x80: {  	_ =	shalt  }
0x81: {  	_ =	shalt  }
0x82: {  	_ =	shalt  }
0x83: {  	_ =	shalt  }
0x84: {  	_ =	shalt  }
0x85: {  	_ =	shalt  }
0x86: {  	_ =	shalt  }
0x87: {  	_ =	shalt  }
.Lfunc_end0:
.L_simem_size_0:
called_computation_lowered:
.L_overlay_start_0:
0x88: {  	s2 =	sld [smem:$0x3FD9]  }
0x89: {  	s3 =	sld [smem:$0x3FFE];
	_ =	sdelay $0x1  }
0x8a: {  	s1 =	srdreg.scid  }
0x8b: {  	s0 =	sand.u32 $0x1, s1  }
0x8c: {  	s14 =	sshll.u32 s0, $0xA;
	s2 =	sadd.s32 s3, s2  }
0x8d: {  	s2 =	sadd.s32 s2, s14  }
0x8e: {  	[smem:$0x3FC7] =	sst s2  }
0x8f: {  	_ = 	snop  }
0x90: {  	s2 =	sld [smem:$0x3FD0];
	_ =	sdelay $0x2  }
0x91: {  	s15 =	simm.s32 $0xA;
	s4 =	simm.s32 $0x10  }
0x92: {  	[smem:s4], [sflag:s15] =	dma.local [hbm:s2], $0x1  }
0x93: {  	_ =	swait.eq [sflag:s15], $0x1  }
0x94: {  	s16 =	sld [smem:$0x11];
	[sflag:s15] =	ssyncset.done $0x0  }
0x95: {  	s17 =	sld [smem:$0x12];
	[sflag:s15] =	ssyncadd.s32 $0xFFFFFFFF  }
0x96: {  	s18 =	sld [smem:$0x13];
	(tm) =	ssettm $0x1  }
0x97: {  	s5 =	sld [smem:$0x3FFB];
	_ =	sdelay $0x3  }
0x98: {  	_ =	strace s5  }
0x99: {  	s5 =	sld [smem:$0x3FFC];
	_ =	sdelay $0x3  }
0x9a: {  	_ =	strace s5  }
0x9b: {  	s5 =	sld [smem:$0x3FFD];
	_ =	sdelay $0x3  }
0x9c: {  	_ =	strace s5  }
0x9d: {  	_ =	strace $0x8FFFFFFF  }
0x9e: {  	s19 =	sld [smem:$0x3FDB];
	_ =	sdelay $0x1  }
0x9f: {  	s6 =	simm.s32 $_scs_section_size  }
0xa0: {  	s7 =	simm.s32 $_size__tile_overlayer_lowered;
	s8 =	simm.s32 $_tile_overlayer_lowered  }
0xa1: {  	s22 =	simm.s32 $0x1BFF;
	s21 =	sshll.u32 s8, $0x1;
	s5 =	sadd.s32 s6, s19  }
0xa2: {  	s9 =	simm.s32 $0x0;
	s20 =	sshll.u32 s7, $0x1;
	s7 =	sadd.s32 s21, s5  }
0xa3: {  	[timem:s9], [sflag:s22] =	dma.local [hbm:s7], s20  }
0xa4: {  	_ =	swait.ge [sflag:s22], s20  }
0xa5: {  	s6 =	ssub.s32 $0x0, s20;
	[sflag:s22] =	ssyncset.done $0x0  }
0xa6: {  	[sflag:s22] =	ssyncadd.s32 s6;
	_ =	sdelay $0x1  }
0xa7: {  	s23 =	simm.s32 $0x1B8B  }
0xa8: {  	_ =	swait.ge [sflag:s23], $0x1  }
0xa9: {  	[sflag:s23] =	ssyncset.done $0x0  }
0xaa: {  	s25 =	simm.s32 $0x1B8E;
	s24 =	sld [smem:$0x3FFE];
	[sflag:s23] =	ssyncadd.s32 $0xFFFFFFFF  }
0xab: {  	s26 =	simm.s32 $execute0_lowered;
	[smem:$0x3FD2] =	sst s25  }
0xac: {  	s7 =	sshll.u32 s26, $0x1;
	_ =	strace $0x80000046;
	[dreg:$0x1] =	wrdreg $0xFFFFFFFF  }
0xad: {  	s28 =	simm.s32 $_size_execute0_lowered;
	s5 =	sadd.s32 s5, s7;
	[dreg:$0x0] =	wrdreg $0x0  }
0xae: {  	s7 =	sshll.u32 s28, $0x1;
	[dreg:$0x2] =	wrdreg s5  }
0xaf: {  	[dreg:$0x3] =	wrdreg s7  }
0xb0: {  	[dreg:$0x4] =	wrdreg $0xC0  }
0xb1: {  	_ =	task [dreg:s9], $0x5FFFF  }
0xb2: {  	[dreg:$0x1] =	wrdreg $0xFFFFFFFF  }
0xb3: {  	[dreg:$0x0] =	wrdreg $0x60  }
0xb4: {  	[dreg:$0x2] =	wrdreg s24  }
0xb5: {  	[dreg:$0x3] =	wrdreg s17  }
0xb6: {  	[dreg:$0x4] =	wrdreg s16  }
0xb7: {  	[dreg:$0x5] =	wrdreg s18  }
0xb8: {  	[dreg:$0x6] =	wrdreg $0x9  }
0xb9: {  	_ =	task.clear_ibuf [dreg:s9], $0x7FFFF;
	_ =	strace $0x90000046  }
0xba: {  	s29 =	simm.s32 $0x9;
	_ =	strace $0x80000048  }
0xbb: {  	_ =	swait.ge [sflag:s29], $0x1  }
0xbc: {  	[sflag:s29] =	ssyncadd.s32 $0xFFFFFFFF  }
0xbd: {  	_ =	strace $0x90000048  }
0xbe: {  	_ =	sfence  }
0xbf: {  	s30 =	sld [smem:$0x0];
	_ =	sdelay $0x2  }
0xc0: {  	s31 =	sshll.u32 s1, $0xD;
	s1 =	sshrl.u32 s1, $0x2  }
0xc1: {  	s3 =	sand.u32 $0x4000, s31;
	s1 =	sadd.s32 s1, s30  }
0xc2: {  	s0 =	sor.u32 s3, s0;
	s1 =	sshll.u32 s1, $0x11  }
0xc3: {  	s0 =	sor.u32 s1, s0  }
0xc4: {  	s0 =	sadd.s32 $0x8F2B, s0  }
0xc5: {  	[sflag:s0] =	ssyncadd.remote.s32 $0x1  }
0xc6: {  	_ =	sfence.sel $0xFFFF  }
0xc7: {  	[dreg:$0x0] =	wrdreg $0xFFFFFFFF;
	(pc) =	sbr.abs _section_cstart, $3  }
0xc8: {  	[dreg:$0x1] =	wrdreg $0xFFFFFFFF  }
0xc9: {  	_ =	task.clear_ibuf [dreg:s9], $0x2FFFF;
	_ =	strace $0x9FFFFFFF  }
0xca: {  	(tm) =	ssettm $0x7FFFFFFF  }
0xcb: {  	_ =	shalt  }
tec
execute0_lowered:
.L_overlay_start_1:
0x0: {  	(tag) =	ssettag $0x1  }
0x1: {  	s0 =	rddreg [dreg:$0x0]  }
0x2: {  	s1 =	rddreg [dreg:$0x1]  }
0x3: {  	s2 =	rddreg [dreg:$0x2]  }
0x4: {  	s3 =	rddreg [dreg:$0x3];
	s4 =	simm.s32 $0x0  }
0x5: {  	s5 =	srdreg.scid;
	s8 =	stileid.u32;
	s17 =	simm.s32 $0x1000  }
0x6: {  	s18 =	simm.s32 $0x2000;
	s24 =	simm.s32 $0x8000;
	s28 =	simm.s32 $0xB000  }
0x7: {  	s29 =	simm.s32 $0xC000;
	[smem:$0x7FF] =	sst s4;
	s5 =	sand.u32 $0x1, s5  }
0x8: {  	s6 =	sadd.s32 $0x1E00, s0;
	s25 =	sadd.s32 $0x2000, s0;
	s7 =	sadd.s32 $0x1C00, s0  }
0x9: {  	s9 =	sadd.s32 $0x2200, s0;
	_ =	strace $0x80000047;
	[dreg:$0x5] =	wrdreg s6  }
0xa: {  	s10 =	sadd.s32 $0x82200, s0;
	[dreg:$0x6] =	wrdreg s25;
	s26 =	ssub.s32 $0x2, s5  }
0xb: {  	s11 =	sshll.u32 s8, $0x7;
	[dreg:$0x7] =	wrdreg s7;
	s30 =	sshrl.u32 s26, $0x1  }
0xc: {  	s12 =	sshll.u32 s5, $0x6;
	s14 =	sor.u32 $0x1000, s11;
	s31 =	ssub.s32 s26, s30  }
0xd: {  	s15 =	sor.u32 $0x2000, s11;
	s25 =	simm.s32 $0x9000;
	s0 =	smax.u32 s31, $0x1  }
0xe: {  	v0 =	vlaneseq.u32;
	v1 =	vimm.s32 $0x0;
	s6 =	simm.s32 $0x0;
	s26 =	simm.s32 $0xA000;
	[dreg:$0x8] =	wrdreg s0  }
.LBB2_1:
0xf: {  	[dreg:$0x9] =	wrdreg s6  }
0x10: {  	s0 =	rddreg [dreg:$0x5];
	s5 =	simm.s32 $0x3  }
0x11: {  	[tilespmem:s4], [sflag:$0x3] =	stream.linear.gather [hbm4b:s0+s4], $0x1000, $0x38;
	[tilespmem:$0xD000] =	vst v63  }
0x12: {  	_ =	swait.ge [sflag:s5], $0x1000  }
0x13: {  	[sflag:s5] =	ssyncset.done $0x0  }
0x14: {  	s30 =	rddreg [dreg:$0x6];
	[sflag:s5] =	ssyncadd.s32 $0xFFFFF000  }
0x15: {  	[tilespmem:s17], [sflag:$0x3] =	stream.linear.gather [hbm4b:s30+s4], $0x1000, $0x38;
	[tilespmem:$0xD000] =	vst v63  }
0x16: {  	_ =	swait.ge [sflag:s5], $0x1000  }
0x17: {  	[sflag:s5] =	ssyncset.done $0x0  }
0x18: {  	s31 =	rddreg [dreg:$0x7];
	[sflag:s5] =	ssyncadd.s32 $0xFFFFF000  }
0x19: {  	[tilespmem:s18], [sflag:$0x3] =	stream.linear.gather [hbm4b:s31+s4], $0x1000, $0x38;
	[tilespmem:$0xD000] =	vst v63  }
0x1a: {  	_ =	swait.ge [sflag:s5], $0x1000  }
0x1b: {  	[sflag:s5] =	ssyncset.done $0x0  }
0x1c: {  	s7 =	simm.s32 $0x0;
	[sflag:s5] =	ssyncadd.s32 $0xFFFFF000  }
.LBB2_2:
0x1d: {  	p0 =	seq.s32 s7, $0x0  }
0x1e: {  	s0 =	simm.s32 @!p0 $0x1  }
0x1f: {  	_ =	swait.ge @!p0 [sflag:s0], $0x1000  }
0x20: {  	[sflag:s0] =	ssyncset.done @!p0 $0x0  }
0x21: {  	[sflag:s0] =	ssyncadd.s32 @!p0 $0xFFFFF000  }
0x22: {  	_ =	swait.ge @!p0 [sflag:s0], $0x1000  }
0x23: {  	[sflag:s0] =	ssyncset.done @!p0 $0x0  }
0x24: {  	[sflag:s0] =	ssyncadd.s32 @!p0 $0xFFFFF000  }
0x25: {  	_ =	swait.ge @!p0 [sflag:s0], $0x1000  }
0x26: {  	s5 =	sshll.u32 s7, $0x2;
	[sflag:s0] =	ssyncset.done @!p0 $0x0  }
0x27: {  	s5 =	sor.u32 s5, s12;
	[sflag:s0] =	ssyncadd.s32 @!p0 $0xFFFFF000  }
0x28: {  	s5 =	sor.u32 s11, s5;
	_ =	swait.ge @!p0 [sflag:s0], $0x1000  }
0x29: {  	v6 =	vmov s5;
	[sflag:s0] =	ssyncset.done @!p0 $0x0  }
0x2a: {  	[sflag:s0] =	ssyncadd.s32 @!p0 $0xFFFFF000  }
0x2b: {  	_ =	swait.ge @!p0 [sflag:s0], $0x1000  }
0x2c: {  	s6 =	sshll.u32 s5, $0x2;
	v10 =	vor.u32 $0x1, v6;
	[sflag:s0] =	ssyncset.done @!p0 $0x0  }
0x2d: {  	s16 =	simm.s32 $0x0;
	s6 =	sshra.s32 s6, $0x2;
	[sflag:s0] =	ssyncadd.s32 @!p0 $0xFFFFF000  }
0x2e: {  	s8 =	sadd.s32 $0x41, s6;
	v2 =	vld.idx.msk [tilespmem:v6+s16+$0x0], $0xffff  }
0x2f: {  	s13 =	sadd.s32 $0x1071, s6;
	v3 =	vmov s8;
	v4 =	vld.idx.msk [tilespmem:v6+s17+$0x0], $0xffff  }
0x30: {  	s19 =	sadd.s32 $0x2071, s6;
	v5 =	vmov s13;
	v6 =	vld.idx.msk [tilespmem:v6+s18+$0x0], $0xffff  }
0x31: {  	v8 =	vmov s19;
	v7 =	vld.idx.msk [tilespmem:v10+s16+$0x0], $0xffff  }
0x32: {  	s22 =	simm.s32 $0x0;
	s20 =	sxor.u32 $0x7FF, s5;
	v9 =	vld.idx.msk [tilespmem:v10+s17+$0x0], $0xffff  }
0x33: {  	s21 =	simm.s32 $0x10;
	v21 =	vor.u32 s22, v0;
	v11 =	vmov s20;
	s8 =	simm.s32 $0x0;
	s13 =	simm.s32 $0x70;
	v10 =	vld.idx.msk [tilespmem:v10+s18+$0x0], $0xffff  }
0x34: {  	s30 =	simm.s32 $0x30;
	v16 =	vor.u32 s21, v0;
	vm6 =	vlt.u32 v21, v11;
	v15 =	vor.u32 s13, v0;
	v12 =	vld.idx.msk [tilespmem:v3+s8+$0x30 ss:$0x1], $0xffff  }
0x35: {  	s31 =	simm.s32 $0x60;
	vm5 =	vlt.u32 v16, v11;
	vm0 =	vlt.u32 v15, v11;
	v15 =	vor.u32 s30, v0;
	v13 =	vld.idx.msk [tilespmem:v5+s8+$0x0 ss:$0x1], $0xffff;
	s16 =	simm.s32 $0x20  }
0x36: {  	v16 =	vor.u32 s31, v0;
	vm3 =	vlt.u32 v15, v11;
	v14 =	vld.idx.msk [tilespmem:v8+s8+$0x0 ss:$0x1], $0xffff;
	v17 =	vor.u32 s16, v0  }
0x37: {  	v22 =	vld.idx.msk [tilespmem:v3+s8+$0xFFFFFFC0 ss:$0x1], $0xffff;
	vm4 =	vlt.u32 v17, v11;
	v18 =	vsel vm0, v2, v7;
	v19 =	vsel vm0, v4, v9  }
0x38: {  	v24 =	vld.idx.msk [tilespmem:v5+s8+$0xFFFFFF90 ss:$0x1], $0xffff;
	v20 =	vsel vm0, v6, v10;
	v15 =	vsel vm6, v2, v7;
	vm0 =	vlt.u32 v16, v11  }
0x39: {  	v26 =	vld.idx.msk [tilespmem:v3+s8+$0xFFFFFFF0 ss:$0x1], $0xffff;
	v16 =	vsel vm6, v4, v9;
	v27 =	vsel vm4, v2, v7;
	v31 =	vsel vm4, v4, v9  }
0x3a: {  	s23 =	simm.s32 $0x40;
	s30 =	simm.s32 $0x50;
	v32 =	vsel vm3, v2, v7;
	v34 =	vsel vm3, v4, v9;
	v12 =	vsub.f32 v18, v12  }
0x3b: {  	v25 =	vld.idx.msk [tilespmem:v3+s8+$0xFFFFFFD0 ss:$0x1], $0xffff;
	v19 =	vsub.f32 v19, v13;
	v13 =	vor.u32 s23, v0;
	v18 =	vor.u32 s30, v0  }
0x3c: {  	v52 =	vld.idx.msk [tilespmem:v8+s8+$0xFFFFFF90 ss:$0x1], $0xffff;
	v20 =	vsub.f32 v20, v14;
	v42 =	vsel vm0, v2, v7;
	v43 =	vsel vm0, v4, v9  }
0x3d: {  	v30 =	vld.idx.msk [tilespmem:v5+s8+$0xFFFFFFC0 ss:$0x1], $0xffff;
	v45 =	vsub.f32 v15, v22;
	v24 =	vsub.f32 v16, v24;
	v15 =	vsel vm6, v6, v10  }
0x3e: {  	v33 =	vld.idx.msk [tilespmem:v3+s8+$0x0 ss:$0x1], $0xffff;
	v26 =	vsub.f32 v32, v26;
	v14 =	vmul.f32 v12, v12;
	v23 =	vmul.f32 v19, v19  }
0x3f: {  	v37 =	vld.idx.msk [tilespmem:v5+s8+$0xFFFFFFD0 ss:$0x1], $0xffff;
	v59 =	vsel vm0, v6, v10;
	vm2 =	vlt.u32 v13, v11;
	vm1 =	vlt.u32 v18, v11  }
0x40: {  	v13 =	vld.idx.msk [tilespmem:v3+s8+$0xFFFFFFE0 ss:$0x1], $0xffff;
	v18 =	vsel vm5, v4, v9;
	v17 =	vmul.f32 v20, v20;
	v14 =	vadd.f32 v23, v14  }
0x41: {  	v41 =	vld.idx.msk [tilespmem:v3+s8+$0x10 ss:$0x1], $0xffff;
	v32 =	vsub.f32 v15, v52;
	v35 =	vsel vm2, v2, v7;
	v38 =	vsel vm2, v4, v9  }
0x42: {  	v39 =	vsel vm1, v2, v7;
	v40 =	vsel vm1, v4, v9;
	v23 =	vld.idx.msk [tilespmem:v5+s8+$0xFFFFFFA0 ss:$0x1], $0xffff;
	v21 =	vadd.f32 v17, v14  }
0x43: {  	v54 =	vsel vm2, v6, v10;
	v55 =	vsel vm1, v6, v10;
	v57 =	vmul.f32 v45, v45;
	v14 =	vld.idx.msk [tilespmem:v5+s8+$0xFFFFFFB0 ss:$0x1], $0xffff  }
0x44: {  	v16 =	vld.idx.msk [tilespmem:v3+s8+$0x20 ss:$0x1], $0xffff;
	v58 =	vmul.f32 v24, v24;
	v28 =	vshra.s32 v21, $0x1;
	v29 =	vmul.f32 $5.000000000e-01, v21  }
0x45: {  	v50 =	vld.idx.msk [tilespmem:v8+s8+$0xFFFFFFF0 ss:$0x1], $0xffff;
	v17 =	vsel vm5, v2, v7;
	v27 =	vsub.f32 v27, v13;
	v28 =	vsub.s32 $0x5F3759DF, v28  }
0x46: {  	v56 =	vld.idx.msk [tilespmem:v8+s8+$0xFFFFFFC0 ss:$0x1], $0xffff;
	v13 =	vsel vm4, v6, v10;
	v25 =	vsub.f32 v17, v25;
	v36 =	vmul.f32 v28, v29  }
0x47: {  	v44 =	vld.idx.msk [tilespmem:v5+s8+$0xFFFFFFE0 ss:$0x1], $0xffff;
	v17 =	vsel vm5, v6, v10;
	v15 =	vmul.f32 v27, v27;
	vm2 =	vle.f32 v21, $1.600000110e-01  }
0x48: {  	v51 =	vld.idx.msk [tilespmem:v5+s8+$0xFFFFFFF0 ss:$0x1], $0xffff;
	v46 =	vsub.f32 v18, v23;
	v31 =	vsub.f32 v31, v14;
	v36 =	vmul.f32 v28, v36  }
0x49: {  	v53 =	vld.idx.msk [tilespmem:v8+s8+$0xFFFFFFA0 ss:$0x1], $0xffff;
	v18 =	vsel vm3, v6, v10;
	v23 =	vsub.f32 v42, v16;
	v61 =	vmul.f32 v25, v25  }
0x4a: {  	v60 =	vld.idx.msk [tilespmem:v8+s8+$0xFFFFFFD0 ss:$0x1], $0xffff;
	v42 =	vsub.f32 v59, v50;
	v49 =	vmul.f32 v31, v31;
	v22 =	vsub.f32 $1.500000000e+00, v36  }
0x4b: {  	v48 =	vld.idx.msk [tilespmem:v8+s8+$0xFFFFFFE0 ss:$0x1], $0xffff;
	v47 =	vmul.f32 v46, v46;
	v63 =	vmul.f32 v23, v23;
	v36 =	vsub.f32 v18, v56  }
0x4c: {  	v15 =	vadd.f32 v49, v15;
	v14 =	vmul.f32 v28, v22;
	v28 =	vsub.f32 v34, v30  }
0x4d: {  	v56 =	vmul.f32 v32, v32;
	v30 =	vsub.f32 v35, v33;
	v33 =	vsub.f32 v38, v37  }
0x4e: {  	v34 =	vsub.f32 v39, v41;
	v38 =	vsub.f32 v40, v44;
	v29 =	vmul.f32 v14, v29  }
0x4f: {  	v22 =	vsub.f32 v43, v51;
	v35 =	vsub.f32 v17, v53;
	v17 =	vmul.f32 v26, v26  }
0x50: {  	v16 =	vld.idx.msk [tilespmem:v8+s8+$0xFFFFFFB0 ss:$0x1], $0xffff;
	v37 =	vsub.f32 v54, v60;
	v39 =	vsub.f32 v55, v48;
	v29 =	vmul.f32 v29, v14  }
0x51: {  	v44 =	vadd.f32 v47, v61;
	v53 =	vmul.f32 v36, v36;
	v61 =	vmul.f32 v42, v42  }
0x52: {  	v18 =	vmul.f32 v33, v33;
	v52 =	vmul.f32 v22, v22;
	v29 =	vsub.f32 $1.500000000e+00, v29  }
0x53: {  	v40 =	vadd.f32 v58, v57;
	v62 =	vmul.f32 v38, v38;
	v57 =	vmul.f32 v35, v35  }
0x54: {  	v60 =	vmul.f32 v39, v39;
	v48 =	vadd.f32 v52, v63;
	v14 =	vmul.f32 v29, v14  }
0x55: {  	v29 =	vsub.f32 v13, v16;
	v13 =	vmul.f32 v28, v28;
	v16 =	vmul.f32 v30, v30  }
0x56: {  	[tilespmem:s8+$0x3070] =	vst v12;
	v12 =	vadd.f32 v61, v48;
	v51 =	vmul.f32 v14, v21;
	v14 =	vmul.f32 v34, v34  }
0x57: {  	v58 =	vmul.f32 v29, v29;
	v13 =	vadd.f32 v13, v17;
	v59 =	vadd.f32 v18, v16  }
0x58: {  	vm1 =	vle.f32 v12, $1.600000110e-01;
	v18 =	vadd.f32 v56, v40;
	v17 =	vadd.f32 v57, v44  }
0x59: {  	v43 =	vadd.f32 v62, v14;
	v14 =	vmul.f32 v37, v37;
	v16 =	vadd.f32 v58, v15  }
0x5a: {  	v62 =	vshra.s32 v18, $0x1;
	v15 =	vadd.f32 v53, v13;
	v47 =	vmul.f32 $5.000000000e-01, v18  }
0x5b: {  	[tilespmem:s8+$0x3000] =	vst v45;
	v63 =	vshra.s32 v17, $0x1;
	v41 =	vmul.f32 $5.000000000e-01, v17;
	v58 =	vshra.s32 v12, $0x1  }
0x5c: {  	[tilespmem:s8+$0x3020] =	vst v27;
	v53 =	vmul.f32 $5.000000000e-01, v12;
	vm6 =	vle.f32 v18, $1.600000110e-01;
	v27 =	vsub.s32 $0x5F3759DF, v62  }
0x5d: {  	[tilespmem:s8+$0x4000] =	vst v24;
	v40 =	vsub.s32 $0x5F3759DF, v63;
	v14 =	vadd.f32 v14, v59;
	v13 =	vadd.f32 v60, v43  }
0x5e: {  	[tilespmem:s8+$0x3030] =	vst v26;
	v56 =	vshra.s32 v16, $0x1;
	v45 =	vmul.f32 $5.000000000e-01, v16;
	v24 =	vshra.s32 v15, $0x1  }
0x5f: {  	[tilespmem:s8+$0x3010] =	vst v25;
	v48 =	vmul.f32 $5.000000000e-01, v15;
	v26 =	vmul.f32 v27, v47;
	v60 =	vsub.s32 $0x5F3759DF, v58  }
0x60: {  	[tilespmem:s8+$0x4010] =	vst v46;
	v59 =	vmul.f32 v40, v41;
	v43 =	vsub.s32 $0x5F3759DF, v56;
	v63 =	vmul.f32 v60, v53  }
0x61: {  	[tilespmem:s8+$0x4020] =	vst v31;
	v24 =	vsub.s32 $0x5F3759DF, v24;
	v49 =	vmul.f32 $5.000000000e-01, v14;
	v46 =	vmul.f32 $5.000000000e-01, v13  }
0x62: {  	[tilespmem:s8+$0x4030] =	vst v28;
	v25 =	vshra.s32 v14, $0x1;
	v28 =	vmul.f32 v43, v45;
	v61 =	vmul.f32 v24, v48  }
0x63: {  	[tilespmem:s8+$0x5020] =	vst v29;
	v57 =	vshra.s32 v13, $0x1;
	v26 =	vmul.f32 v27, v26;
	v29 =	vmul.f32 v40, v59  }
0x64: {  	[tilespmem:s8+$0x5010] =	vst v35;
	v25 =	vsub.s32 $0x5F3759DF, v25;
	v31 =	vsub.s32 $0x5F3759DF, v57;
	v35 =	vmul.f32 v60, v63  }
0x65: {  	[tilespmem:s8+$0x4070] =	vst v19;
	vm5 =	vle.f32 v17, $1.600000110e-01;
	v62 =	vmul.f32 v25, v49;
	v54 =	vmul.f32 v31, v46  }
0x66: {  	[tilespmem:s8+$0x5070] =	vst v20;
	v28 =	vmul.f32 v43, v28;
	v26 =	vsub.f32 $1.500000000e+00, v26;
	v52 =	vmul.f32 v24, v61  }
0x67: {  	[tilespmem:s8+$0x5000] =	vst v32;
	v29 =	vsub.f32 $1.500000000e+00, v29;
	v32 =	vmul.f32 v25, v62;
	v55 =	vmul.f32 v31, v54  }
0x68: {  	[tilespmem:s8+$0x3040] =	vst v30;
	v30 =	vmul.f32 v27, v26;
	v26 =	vsub.f32 $1.500000000e+00, v28;
	v27 =	vsub.f32 $1.500000000e+00, v52  }
0x69: {  	[tilespmem:s8+$0x3060] =	vst v23;
	v56 =	vmul.f32 v40, v29;
	v29 =	vsub.f32 $1.500000000e+00, v32;
	v57 =	vsub.f32 $1.500000000e+00, v55  }
0x6a: {  	[tilespmem:s8+$0x5060] =	vst v42;
	v28 =	vmul.f32 v43, v26;
	v27 =	vmul.f32 v24, v27;
	v24 =	vsub.f32 $1.500000000e+00, v35  }
0x6b: {  	[tilespmem:s8+$0x5030] =	vst v36;
	v21 =	vsel vm6, $0x1, v1;
	v26 =	vmul.f32 v25, v29;
	v25 =	vmul.f32 v31, v57  }
0x6c: {  	[tilespmem:s8+$0x4040] =	vst v33;
	vm7 =	vle.f32 v16, $1.600000110e-01;
	v29 =	vmul.f32 v30, v47;
	v24 =	vmul.f32 v60, v24  }
0x6d: {  	[tilespmem:s8+$0x5040] =	vst v37;
	vm0 =	vle.f32 v15, $1.600000110e-01;
	v31 =	vmul.f32 v56, v41;
	v58 =	vmul.f32 v28, v45  }
0x6e: {  	[tilespmem:s8+$0x3050] =	vst v34;
	vm4 =	vle.f32 v14, $1.600000110e-01;
	v23 =	vmul.f32 v27, v48;
	v59 =	vmul.f32 v26, v49  }
0x6f: {  	[tilespmem:s8+$0x4060] =	vst v22;
	vm3 =	vle.f32 v13, $1.600000110e-01;
	v22 =	vmul.f32 v25, v46;
	v60 =	vmul.f32 v24, v53  }
0x70: {  	[tilespmem:s8+$0x4050] =	vst v38;
	v61 =	vsel vm5, $0x1, v1;
	v29 =	vmul.f32 v29, v30;
	v31 =	vmul.f32 v31, v56  }
0x71: {  	[tilespmem:s8+$0x5050] =	vst v39;
	v62 =	vsel vm7, $0x1, v1;
	v19 =	vmul.f32 v58, v28;
	v23 =	vmul.f32 v23, v27  }
0x72: {  	[tilespmem:s8+$0x6070] =	vst v51;
	v20 =	vsub.f32 $1.500000000e+00, v29;
	v34 =	vmul.f32 v59, v26;
	v63 =	vmul.f32 v22, v25  }
0x73: {  	[tilespmem:s8+$0x7000] =	vst v21;
	v21 =	vsub.f32 $1.500000000e+00, v31;
	v29 =	vsub.f32 $1.500000000e+00, v19;
	v19 =	vmul.f32 v60, v24  }
0x74: {  	[tilespmem:s8+$0x7010] =	vst v61;
	v20 =	vmul.f32 v20, v30;
	v30 =	vsub.f32 $1.500000000e+00, v23;
	v22 =	vsub.f32 $1.500000000e+00, v34  }
0x75: {  	s0 =	simm.s32 $0x0;
	s16 =	sor.u32 $0x1, s5;
	s30 =	simm.s32 $0x200;
	[tilespmem:s8+$0x7020] =	vst v62;
	v21 =	vmul.f32 v21, v56;
	v23 =	vsub.f32 $1.500000000e+00, v63;
	v19 =	vsub.f32 $1.500000000e+00, v19  }
.LBB2_3:
0x76: {  	s31 =	sshra.s32 s30, $0x2;
	v28 =	vmul.f32 v29, v28;
	v27 =	vmul.f32 v30, v27;
	v29 =	vsel vm0, $0x1, v1  }
0x77: {  	s0 =	sadd.s32 $0x8, s0;
	v22 =	vmul.f32 v22, v26;
	v26 =	vsel vm4, $0x1, v1;
	v30 =	vld.idx.msk [tilespmem:v3+s31+$0x30 ss:$0x1], $0xffff;
	[tilespmem:s8+$0x7030] =	vst v29;
	v23 =	vmul.f32 v23, v25  }
0x78: {  	v18 =	vmul.f32 v20, v18;
	v20 =	vsel vm3, $0x1, v1;
	p1 =	slt.u32 s0, $0x78;
	v19 =	vmul.f32 v19, v24;
	v25 =	vld.idx.msk [tilespmem:v5+s31+$0x0 ss:$0x1], $0xffff;
	[tilespmem:s8+$0x7040] =	vst v26  }
0x79: {  	v17 =	vmul.f32 v21, v17;
	v16 =	vmul.f32 v28, v16;
	v26 =	vsel vm1, $0x1, v1;
	v24 =	vld.idx.msk [tilespmem:v3+s31+$0xFFFFFFC0 ss:$0x1], $0xffff;
	[tilespmem:s8+$0x7050] =	vst v20  }
0x7a: {  	s13 =	sadd.s32 $0x80, s13;
	v15 =	vmul.f32 v27, v15;
	v14 =	vmul.f32 v22, v14;
	v21 =	vld.idx.msk [tilespmem:v8+s31+$0x0 ss:$0x1], $0xffff;
	[tilespmem:s8+$0x6000] =	vst v18;
	v18 =	vsel vm2, $0x1, v1  }
0x7b: {  	s19 =	sadd.s32 $0xFFFFFFA0, s13;
	s20 =	sadd.s32 $0xFFFFFFB0, s13;
	s21 =	sadd.s32 $0xFFFFFFC0, s13;
	v20 =	vor.u32 s13, v0;
	v13 =	vmul.f32 v23, v13;
	v12 =	vmul.f32 v19, v12;
	v22 =	vld.idx.msk [tilespmem:v5+s31+$0xFFFFFF90 ss:$0x1], $0xffff;
	[tilespmem:s8+$0x6010] =	vst v17  }
0x7c: {  	s22 =	sadd.s32 $0xFFFFFFF0, s13;
	v19 =	vor.u32 s20, v0;
	s20 =	sadd.s32 $0xFFFFFFE0, s13;
	vm0 =	vlt.u32 v20, v11;
	v17 =	vor.u32 s19, v0;
	s19 =	sadd.s32 $0xFFFFFFD0, s13;
	v23 =	vld.idx.msk [tilespmem:v3+s31+$0xFFFFFFD0 ss:$0x1], $0xffff;
	[tilespmem:s8+$0x6020] =	vst v16  }
0x7d: {  	s23 =	sadd.s32 $0xFFFFFF90, s13;
	v27 =	vor.u32 s21, v0;
	v20 =	vsel vm0, v2, v7;
	v28 =	vsel vm0, v4, v9;
	v16 =	vld.idx.msk [tilespmem:v5+s31+$0xFFFFFFA0 ss:$0x1], $0xffff;
	[tilespmem:s8+$0x6030] =	vst v15  }
0x7e: {  	v30 =	vsub.f32 v20, v30;
	v15 =	vor.u32 s23, v0;
	v20 =	vsub.f32 v28, v25;
	v29 =	vld.idx.msk [tilespmem:v3+s31+$0xFFFFFFE0 ss:$0x1], $0xffff;
	[tilespmem:s8+$0x6040] =	vst v14  }
0x7f: {  	v31 =	vsel vm0, v6, v10;
	v25 =	vor.u32 s19, v0;
	v28 =	vor.u32 s20, v0;
	v14 =	vld.idx.msk [tilespmem:v5+s31+$0xFFFFFFB0 ss:$0x1], $0xffff;
	[tilespmem:s8+$0x6050] =	vst v13  }
0x80: {  	v21 =	vsub.f32 v31, v21;
	v31 =	vmul.f32 v30, v30;
	v32 =	vmul.f32 v20, v20;
	v13 =	vld.idx.msk [tilespmem:v3+s31+$0xFFFFFFF0 ss:$0x1], $0xffff  }
0x81: {  	vm5 =	vlt.u32 v17, v11;
	v17 =	vor.u32 s22, v0;
	vm6 =	vlt.u32 v15, v11;
	v15 =	vld.idx.msk [tilespmem:v5+s31+$0xFFFFFFC0 ss:$0x1], $0xffff;
	[tilespmem:s8+$0x6060] =	vst v12  }
0x82: {  	vm4 =	vlt.u32 v19, v11;
	v19 =	vadd.f32 v32, v31;
	v31 =	vmul.f32 v21, v21;
	v12 =	vld.idx.msk [tilespmem:v3+s31+$0x0 ss:$0x1], $0xffff  }
0x83: {  	vm3 =	vlt.u32 v27, v11;
	vm2 =	vlt.u32 v25, v11;
	vm1 =	vlt.u32 v28, v11;
	v25 =	vld.idx.msk [tilespmem:v5+s31+$0xFFFFFFD0 ss:$0x1], $0xffff  }
0x84: {  	vm0 =	vlt.u32 v17, v11;
	v27 =	vsel vm6, v2, v7;
	v19 =	vadd.f32 v31, v19;
	v28 =	vld.idx.msk [tilespmem:v3+s31+$0x10 ss:$0x1], $0xffff  }
0x85: {  	v17 =	vsel vm6, v4, v9;
	v32 =	vsel vm5, v4, v9;
	v31 =	vsel vm5, v2, v7;
	v33 =	vld.idx.msk [tilespmem:v5+s31+$0xFFFFFFE0 ss:$0x1], $0xffff  }
0x86: {  	v34 =	vsel vm4, v2, v7;
	v36 =	vshra.s32 v19, $0x1;
	v37 =	vmul.f32 $5.000000000e-01, v19;
	v35 =	vld.idx.msk [tilespmem:v3+s31+$0x20 ss:$0x1], $0xffff;
	[tilespmem:s8+$0x7060] =	vst v26  }
0x87: {  	v38 =	vsel vm3, v2, v7;
	v26 =	vsel vm4, v4, v9;
	v36 =	vsub.s32 $0x5F3759DF, v36;
	v39 =	vld.idx.msk [tilespmem:v5+s31+$0xFFFFFFF0 ss:$0x1], $0xffff;
	[tilespmem:s8+$0x7070] =	vst v18;
	s8 =	smov.u32 s31  }
0x88: {  	v40 =	vsel vm3, v4, v9;
	v41 =	vsel vm2, v2, v7;
	v42 =	vmul.f32 v36, v37;
	v18 =	vld.idx.msk [tilespmem:v8+s8+$0xFFFFFF90 ss:$0x1], $0xffff  }
0x89: {  	v44 =	vsel vm2, v4, v9;
	v45 =	vsel vm1, v2, v7;
	v46 =	vsel vm1, v4, v9;
	v43 =	vld.idx.msk [tilespmem:v8+s8+$0xFFFFFFA0 ss:$0x1], $0xffff  }
0x8a: {  	v48 =	vsel vm0, v2, v7;
	v49 =	vsel vm0, v4, v9;
	v42 =	vmul.f32 v36, v42;
	v47 =	vld.idx.msk [tilespmem:v8+s8+$0xFFFFFFB0 ss:$0x1], $0xffff  }
0x8b: {  	v24 =	vsub.f32 v27, v24;
	v17 =	vsub.f32 v17, v22;
	v22 =	vsel vm6, v6, v10;
	v27 =	vld.idx.msk [tilespmem:v8+s8+$0xFFFFFFC0 ss:$0x1], $0xffff  }
0x8c: {  	v23 =	vsub.f32 v31, v23;
	v31 =	vsel vm5, v6, v10;
	v42 =	vsub.f32 $1.500000000e+00, v42;
	v50 =	vld.idx.msk [tilespmem:v8+s8+$0xFFFFFFD0 ss:$0x1], $0xffff;
	[tilespmem:s8+$0x3070] =	vst v30  }
0x8d: {  	v16 =	vsub.f32 v32, v16;
	v29 =	vsub.f32 v34, v29;
	v30 =	vsel vm4, v6, v10;
	v32 =	vld.idx.msk [tilespmem:v8+s8+$0xFFFFFFE0 ss:$0x1], $0xffff  }
0x8e: {  	v13 =	vsub.f32 v38, v13;
	v14 =	vsub.f32 v26, v14;
	v34 =	vmul.f32 v36, v42;
	v26 =	vld.idx.msk [tilespmem:v8+s8+$0xFFFFFFF0 ss:$0x1], $0xffff  }
0x8f: {  	v15 =	vsub.f32 v40, v15;
	v12 =	vsub.f32 v41, v12;
	v36 =	vsel vm3, v6, v10;
	[tilespmem:s8+$0x3000] =	vst v24  }
0x90: {  	v25 =	vsub.f32 v44, v25;
	v28 =	vsub.f32 v45, v28;
	v37 =	vmul.f32 v34, v37;
	[tilespmem:s8+$0x4000] =	vst v17  }
0x91: {  	v38 =	vsel vm2, v6, v10;
	v33 =	vsub.f32 v46, v33;
	v35 =	vsub.f32 v48, v35;
	[tilespmem:s8+$0x3010] =	vst v23  }
0x92: {  	v40 =	vsel vm1, v6, v10;
	v39 =	vsub.f32 v49, v39;
	v37 =	vmul.f32 v37, v34;
	[tilespmem:s8+$0x4010] =	vst v16  }
0x93: {  	v41 =	vsel vm0, v6, v10;
	v24 =	vmul.f32 v24, v24;
	v17 =	vmul.f32 v17, v17;
	[tilespmem:s8+$0x3020] =	vst v29  }
0x94: {  	v23 =	vmul.f32 v23, v23;
	v16 =	vmul.f32 v16, v16;
	v37 =	vsub.f32 $1.500000000e+00, v37;
	[tilespmem:s8+$0x4020] =	vst v14  }
0x95: {  	v18 =	vsub.f32 v22, v18;
	v22 =	vmul.f32 v29, v29;
	v14 =	vmul.f32 v14, v14;
	[tilespmem:s8+$0x3030] =	vst v13  }
0x96: {  	v29 =	vsub.f32 v31, v43;
	v13 =	vmul.f32 v13, v13;
	v31 =	vmul.f32 v37, v34;
	[tilespmem:s8+$0x4030] =	vst v15  }
0x97: {  	v30 =	vsub.f32 v30, v47;
	v34 =	vmul.f32 v12, v12;
	v15 =	vmul.f32 v15, v15;
	[tilespmem:s8+$0x5000] =	vst v18  }
0x98: {  	v27 =	vsub.f32 v36, v27;
	v36 =	vmul.f32 v25, v25;
	v31 =	vmul.f32 v31, v19;
	[tilespmem:s8+$0x5010] =	vst v29  }
0x99: {  	v42 =	vmul.f32 v33, v33;
	v37 =	vsub.f32 v38, v50;
	v38 =	vmul.f32 v28, v28;
	[tilespmem:s8+$0x5020] =	vst v30  }
0x9a: {  	v32 =	vsub.f32 v40, v32;
	v40 =	vmul.f32 v35, v35;
	v43 =	vmul.f32 v39, v39;
	[tilespmem:s8+$0x6070] =	vst v31  }
0x9b: {  	v17 =	vadd.f32 v17, v24;
	v24 =	vsub.f32 v41, v26;
	v18 =	vmul.f32 v18, v18;
	[tilespmem:s8+$0x5030] =	vst v27  }
0x9c: {  	v16 =	vadd.f32 v16, v23;
	v23 =	vmul.f32 v29, v29;
	v14 =	vadd.f32 v14, v22;
	[tilespmem:s8+$0x3040] =	vst v12  }
0x9d: {  	v22 =	vadd.f32 v36, v34;
	v13 =	vadd.f32 v15, v13;
	v12 =	vmul.f32 v30, v30;
	[tilespmem:s8+$0x4040] =	vst v25  }
0x9e: {  	v26 =	vadd.f32 v43, v40;
	v15 =	vmul.f32 v27, v27;
	v25 =	vadd.f32 v42, v38;
	[tilespmem:s8+$0x5040] =	vst v37  }
0x9f: {  	v29 =	vmul.f32 v32, v32;
	v18 =	vadd.f32 v18, v17;
	v27 =	vmul.f32 v37, v37;
	[tilespmem:s8+$0x3050] =	vst v28  }
0xa0: {  	v17 =	vadd.f32 v23, v16;
	v16 =	vadd.f32 v12, v14;
	v12 =	vmul.f32 v24, v24;
	[tilespmem:s8+$0x4050] =	vst v33  }
0xa1: {  	v15 =	vadd.f32 v15, v13;
	v23 =	vshra.s32 v18, $0x1;
	v14 =	vadd.f32 v27, v22;
	[tilespmem:s8+$0x5050] =	vst v32  }
0xa2: {  	v22 =	vmul.f32 $5.000000000e-01, v18;
	v13 =	vadd.f32 v29, v25;
	v12 =	vadd.f32 v12, v26;
	[tilespmem:s8+$0x3060] =	vst v35  }
0xa3: {  	v25 =	vshra.s32 v17, $0x1;
	v29 =	vmul.f32 $5.000000000e-01, v17;
	v26 =	vshra.s32 v16, $0x1;
	[tilespmem:s8+$0x4060] =	vst v39  }
0xa4: {  	v31 =	vmul.f32 $5.000000000e-01, v15;
	v27 =	vshra.s32 v15, $0x1;
	v30 =	vmul.f32 $5.000000000e-01, v16;
	[tilespmem:s8+$0x5060] =	vst v24  }
0xa5: {  	v32 =	vmul.f32 $5.000000000e-01, v14;
	v28 =	vshra.s32 v13, $0x1;
	v24 =	vshra.s32 v14, $0x1;
	[tilespmem:s8+$0x4070] =	vst v20  }
0xa6: {  	v33 =	vshra.s32 v12, $0x1;
	v34 =	vmul.f32 $5.000000000e-01, v12;
	v20 =	vmul.f32 $5.000000000e-01, v13;
	[tilespmem:s8+$0x5070] =	vst v21  }
0xa7: {  	v21 =	vsub.s32 $0x5F3759DF, v23;
	v23 =	vsub.s32 $0x5F3759DF, v25;
	v25 =	vsub.s32 $0x5F3759DF, v26  }
0xa8: {  	v35 =	vsub.s32 $0x5F3759DF, v28;
	v24 =	vsub.s32 $0x5F3759DF, v24;
	v26 =	vsub.s32 $0x5F3759DF, v27  }
0xa9: {  	v33 =	vsub.s32 $0x5F3759DF, v33;
	v27 =	vmul.f32 v21, v22;
	v28 =	vmul.f32 v23, v29  }
0xaa: {  	vm7 =	vle.f32 v18, $1.600000110e-01;
	v36 =	vmul.f32 v25, v30;
	v37 =	vmul.f32 v26, v31  }
0xab: {  	vm5 =	vle.f32 v17, $1.600000110e-01;
	v38 =	vmul.f32 v24, v32;
	v39 =	vmul.f32 v35, v20  }
0xac: {  	vm6 =	vle.f32 v16, $1.600000110e-01;
	v40 =	vmul.f32 v33, v34;
	v27 =	vmul.f32 v21, v27  }
0xad: {  	vm0 =	vle.f32 v15, $1.600000110e-01;
	v28 =	vmul.f32 v23, v28;
	v36 =	vmul.f32 v25, v36  }
0xae: {  	v38 =	vmul.f32 v24, v38;
	v37 =	vmul.f32 v26, v37;
	v27 =	vsub.f32 $1.500000000e+00, v27  }
0xaf: {  	v40 =	vmul.f32 v33, v40;
	v39 =	vmul.f32 v35, v39;
	v28 =	vsub.f32 $1.500000000e+00, v28  }
0xb0: {  	v21 =	vmul.f32 v21, v27;
	v27 =	vsub.f32 $1.500000000e+00, v36;
	v36 =	vsub.f32 $1.500000000e+00, v37  }
0xb1: {  	v23 =	vmul.f32 v23, v28;
	v37 =	vsub.f32 $1.500000000e+00, v38;
	v38 =	vsub.f32 $1.500000000e+00, v39  }
0xb2: {  	v28 =	vmul.f32 v25, v27;
	v27 =	vmul.f32 v26, v36;
	v36 =	vsub.f32 $1.500000000e+00, v40  }
0xb3: {  	vm4 =	vle.f32 v14, $1.600000110e-01;
	v26 =	vmul.f32 v24, v37;
	v25 =	vmul.f32 v35, v38  }
0xb4: {  	vm3 =	vle.f32 v13, $1.600000110e-01;
	v22 =	vmul.f32 v21, v22;
	v24 =	vmul.f32 v33, v36  }
0xb5: {  	vm1 =	vle.f32 v12, $1.600000110e-01;
	v29 =	vmul.f32 v23, v29;
	v30 =	vmul.f32 v28, v30  }
0xb6: {  	vm2 =	vle.f32 v19, $1.600000110e-01;
	v31 =	vmul.f32 v27, v31;
	v32 =	vmul.f32 v26, v32  }
0xb7: {  	v19 =	vsel vm7, $0x1, v1;
	v20 =	vmul.f32 v25, v20;
	v33 =	vmul.f32 v24, v34  }
0xb8: {  	v22 =	vmul.f32 v22, v21;
	[tilespmem:s8+$0x7000] =	vst v19;
	v19 =	vmul.f32 v29, v23;
	v29 =	vsel vm5, $0x1, v1  }
.Ltmp0:
0xb9: {  	v31 =	vmul.f32 v31, v27;
	[tilespmem:s8+$0x7010] =	vst v29;
	v29 =	vmul.f32 v30, v28;
	v30 =	vsel vm6, $0x1, v1;
	(pc) =	sbr.rel @p1 .LBB2_3-.Ltmp0, $4  }
0xba: {  	v22 =	vsub.f32 $1.500000000e+00, v22;
	v32 =	vmul.f32 v32, v26;
	v34 =	vmul.f32 v20, v25;
	[tilespmem:s8+$0x7020] =	vst v30  }
0xbb: {  	v33 =	vmul.f32 v33, v24;
	v19 =	vsub.f32 $1.500000000e+00, v19;
	v29 =	vsub.f32 $1.500000000e+00, v29  }
0xbc: {  	v20 =	vmul.f32 v22, v21;
	v22 =	vsub.f32 $1.500000000e+00, v32;
	v30 =	vsub.f32 $1.500000000e+00, v31  }
0xbd: {  	s30 =	sadd.s32 $0x200, s30;
	v21 =	vmul.f32 v19, v23;
	v23 =	vsub.f32 $1.500000000e+00, v34;
	v19 =	vsub.f32 $1.500000000e+00, v33  }
0xbe: {  	v2 =	vsel vm0, $0x1, v1  }
0xbf: {  	v4 =	vmul.f32 v20, v18;
	[tilespmem:s8+$0x7030] =	vst v2;
	v2 =	vsel vm4, $0x1, v1  }
0xc0: {  	v3 =	vmul.f32 v29, v28;
	[tilespmem:s8+$0x7040] =	vst v2  }
0xc1: {  	v5 =	vmul.f32 v30, v27;
	v6 =	vmul.f32 v21, v17;
	v2 =	vsel vm3, $0x1, v1;
	[tilespmem:s8+$0x6000] =	vst v4  }
0xc2: {  	v3 =	vmul.f32 v3, v16;
	v4 =	vmul.f32 v23, v25;
	[tilespmem:s8+$0x7050] =	vst v2  }
0xc3: {  	v5 =	vmul.f32 v5, v15;
	v2 =	vmul.f32 v22, v26;
	[tilespmem:s8+$0x6010] =	vst v6  }
0xc4: {  	s0 =	sadd.s32 $0x42, s6;
	v6 =	vmul.f32 v19, v24;
	[tilespmem:s8+$0x6020] =	vst v3;
	v3 =	vmul.f32 v4, v13  }
0xc5: {  	s20 =	sadd.s32 $0x1042, s6;
	s21 =	sadd.s32 $0x2042, s6;
	s6 =	sadd.s32 $0x2, s5;
	[tilespmem:s8+$0x6030] =	vst v5;
	v2 =	vmul.f32 v2, v14  }
0xc6: {  	s22 =	sand.u32 $0x7E, s6;
	v5 =	vmov s20;
	v4 =	vmul.f32 v6, v12;
	[tilespmem:s8+$0x6050] =	vst v3  }
0xc7: {  	v8 =	vmov s21;
	s19 =	sadd.s32 s22, s11;
	[tilespmem:s8+$0x6040] =	vst v2  }
0xc8: {  	v11 =	vmov s19;
	v3 =	vsel vm2, $0x1, v1;
	[tilespmem:s8+$0x6060] =	vst v4  }
0xc9: {  	v6 =	vmov s16;
	v2 =	vsel vm1, $0x1, v1;
	[tilespmem:s8+$0x7070] =	vst v3  }
0xca: {  	[tilespmem:s8+$0x7060] =	vst v2;
	s8 =	simm.s32 $0x0  }
0xcb: {  	v12 =	vadd.s32 $0x1, v6;
	v16 =	vld.idx.msk [tilespmem:v5+s8+$0x30 ss:$0x1], $0xffff  }
0xcc: {  	v18 =	vld.idx.msk [tilespmem:v8+s8+$0x30 ss:$0x1], $0xffff  }
0xcd: {  	s13 =	simm.s32 $0x0;
	v27 =	vld.idx.msk [tilespmem:v11+s8+$0x0 ss:$0x1], $0xffff  }
0xce: {  	s23 =	ssub.s32 $0x7FE, s5;
	s21 =	simm.s32 $0x30;
	v2 =	vld.idx.msk [tilespmem:v6+s13+$0x0], $0xffff  }
0xcf: {  	v10 =	vmov s23;
	v25 =	vor.u32 s21, v0;
	v4 =	vld.idx.msk [tilespmem:v6+s17+$0x0], $0xffff  }
0xd0: {  	v17 =	vor.u32 s13, v0;
	s31 =	sadd.s32 s22, s14;
	s19 =	simm.s32 $0x20;
	vm6 =	vlt.u32 v25, v10;
	s20 =	simm.s32 $0x70;
	v3 =	vmov s0;
	v7 =	vld.idx.msk [tilespmem:v12+s13+$0x0], $0xffff  }
0xd1: {  	v13 =	vmov s31;
	v20 =	vor.u32 s19, v0;
	s31 =	simm.s32 $0x60;
	s16 =	simm.s32 $0x10;
	v21 =	vor.u32 s20, v0;
	v9 =	vld.idx.msk [tilespmem:v12+s17+$0x0], $0xffff  }
0xd2: {  	s23 =	simm.s32 $0x50;
	v28 =	vor.u32 s31, v0;
	vm4 =	vlt.u32 v20, v10;
	v19 =	vor.u32 s16, v0;
	v20 =	vld.idx.msk [tilespmem:v5+s8+$0xFFFFFFD0 ss:$0x1], $0xffff  }
0xd3: {  	vm0 =	vlt.u32 v21, v10;
	v21 =	vor.u32 s23, v0;
	vm2 =	vlt.u32 v17, v10;
	s0 =	sadd.s32 s22, s15;
	s22 =	simm.s32 $0x40;
	v6 =	vld.idx.msk [tilespmem:v6+s18+$0x0], $0xffff  }
0xd4: {  	vm5 =	vlt.u32 v19, v10;
	vm1 =	vlt.u32 v28, v10;
	v26 =	vor.u32 s22, v0;
	v12 =	vld.idx.msk [tilespmem:v12+s18+$0x0], $0xffff  }
0xd5: {  	v14 =	vmov s0;
	vm3 =	vlt.u32 v26, v10;
	v15 =	vld.idx.msk [tilespmem:v3+s8+$0x30 ss:$0x1], $0xffff;
	v22 =	vsel vm0, v2, v7  }
0xd6: {  	v19 =	vld.idx.msk [tilespmem:v3+s8+$0xFFFFFFD0 ss:$0x1], $0xffff;
	v23 =	vsel vm0, v4, v9;
	v17 =	vsel vm5, v2, v7;
	v28 =	vsel vm5, v4, v9  }
0xd7: {  	v26 =	vld.idx.msk [tilespmem:v5+s8+$0xFFFFFFE0 ss:$0x1], $0xffff;
	v30 =	vsel vm4, v2, v7;
	v31 =	vsel vm4, v4, v9;
	v32 =	vsel vm6, v4, v9  }
0xd8: {  	v34 =	vld.idx.msk [tilespmem:v3+s8+$0x0 ss:$0x1], $0xffff;
	v33 =	vsel vm3, v2, v7;
	v35 =	vsel vm3, v4, v9;
	v42 =	vsel vm1, v2, v7  }
0xd9: {  	v38 =	vld.idx.msk [tilespmem:v5+s8+$0x0 ss:$0x1], $0xffff;
	v43 =	vsel vm1, v4, v9;
	v46 =	vsel vm2, v2, v7;
	v47 =	vsel vm2, v4, v9  }
0xda: {  	v45 =	vld.idx.msk [tilespmem:v5+s8+$0x10 ss:$0x1], $0xffff;
	v60 =	vsel vm2, v6, v12;
	v62 =	vsel vm1, v6, v12;
	v24 =	vsub.f32 v22, v15  }
0xdb: {  	v63 =	vld.idx.msk [tilespmem:v8+s8+$0x0 ss:$0x1], $0xffff;
	v22 =	vsub.f32 v23, v16;
	v16 =	vsel vm0, v6, v12;
	v48 =	vsub.f32 v17, v19  }
0xdc: {  	v57 =	vld.idx.msk [tilespmem:v8+s8+$0x10 ss:$0x1], $0xffff;
	vm0 =	vlt.u32 v21, v10;
	v46 =	vsub.f32 v46, v27;
	v28 =	vsub.f32 v28, v20  }
0xdd: {  	v29 =	vld.idx.msk [tilespmem:v3+s8+$0xFFFFFFF0 ss:$0x1], $0xffff;
	v20 =	vsel vm5, v6, v12;
	v31 =	vsub.f32 v31, v26;
	v33 =	vsub.f32 v33, v34  }
0xde: {  	v15 =	vld.idx.msk [tilespmem:v13+s8+$0x0 ss:$0x1], $0xffff;
	v23 =	vsub.f32 v16, v18;
	v16 =	vmul.f32 v24, v24;
	v18 =	vmul.f32 v22, v22  }
0xdf: {  	v19 =	vld.idx.msk [tilespmem:v5+s8+$0x20 ss:$0x1], $0xffff;
	v34 =	vsub.f32 v35, v38;
	v35 =	vsel vm3, v6, v12;
	v39 =	vsel vm0, v2, v7  }
0xe0: {  	v21 =	vld.idx.msk [tilespmem:v3+s8+$0xFFFFFFE0 ss:$0x1], $0xffff;
	v40 =	vsel vm0, v4, v9;
	v16 =	vadd.f32 v18, v16;
	v18 =	vmul.f32 v23, v23  }
0xe1: {  	v17 =	vld.idx.msk [tilespmem:v3+s8+$0x20 ss:$0x1], $0xffff;
	v61 =	vsel vm0, v6, v12;
	v35 =	vsub.f32 v35, v63;
	v38 =	vsub.f32 v40, v45  }
0xe2: {  	v56 =	vmul.f32 v46, v46;
	v25 =	vadd.f32 v18, v16;
	v16 =	vld.idx.msk [tilespmem:v5+s8+$0xFFFFFFF0 ss:$0x1], $0xffff;
	v18 =	vsel vm6, v2, v7  }
0xe3: {  	v50 =	vmul.f32 v28, v28;
	v40 =	vsub.f32 v61, v57;
	v29 =	vsub.f32 v18, v29;
	v18 =	vld.idx.msk [tilespmem:v8+s8+$0xFFFFFFD0 ss:$0x1], $0xffff  }
0xe4: {  	v26 =	vsub.f32 v43, v19;
	v19 =	vld.idx.msk [tilespmem:v8+s8+$0xFFFFFFF0 ss:$0x1], $0xffff;
	v36 =	vshra.s32 v25, $0x1;
	v37 =	vmul.f32 $5.000000000e-01, v25  }
0xe5: {  	v57 =	vmul.f32 v40, v40;
	v30 =	vsub.f32 v30, v21;
	v36 =	vsub.s32 $0x5F3759DF, v36  }
0xe6: {  	v59 =	vld.idx.msk [tilespmem:v8+s8+$0xFFFFFFE0 ss:$0x1], $0xffff;
	v47 =	vsub.f32 v47, v15;
	v21 =	vsel vm4, v6, v12;
	v44 =	vmul.f32 v36, v37  }
0xe7: {  	v41 =	vld.idx.msk [tilespmem:v3+s8+$0x10 ss:$0x1], $0xffff;
	v27 =	vsub.f32 v42, v17;
	v51 =	vmul.f32 v30, v30;
	v32 =	vsub.f32 v32, v16  }
0xe8: {  	v16 =	vsel vm6, v6, v12;
	v15 =	vmul.f32 v36, v44;
	v49 =	vsub.f32 v20, v18;
	v20 =	vld.idx.msk [tilespmem:v8+s8+$0x20 ss:$0x1], $0xffff  }
0xe9: {  	vm1 =	vle.f32 v25, $1.600000110e-01;
	v18 =	vmul.f32 v48, v48;
	v53 =	vsub.f32 v16, v19  }
0xea: {  	v58 =	vld.idx.msk [tilespmem:v14+s8+$0x0 ss:$0x1], $0xffff;
	v52 =	vmul.f32 v29, v29;
	v19 =	vmul.f32 v34, v34;
	v15 =	vsub.f32 $1.500000000e+00, v15  }
0xeb: {  	v16 =	vmul.f32 v32, v32;
	v18 =	vadd.f32 v50, v18;
	v63 =	vmul.f32 v53, v53  }
0xec: {  	v15 =	vmul.f32 v36, v15;
	v36 =	vsub.f32 v39, v41;
	v39 =	vsub.f32 v21, v59  }
0xed: {  	v21 =	vmul.f32 v31, v31;
	v41 =	vsub.f32 v62, v20;
	v20 =	vmul.f32 v27, v27  }
0xee: {  	v16 =	vadd.f32 v16, v52;
	v62 =	vmul.f32 v49, v49;
	v17 =	vmul.f32 v15, v37  }
0xef: {  	v37 =	vsub.f32 v60, v58;
	v58 =	vmul.f32 v47, v47;
	v60 =	vmul.f32 v26, v26  }
0xf0: {  	v59 =	vmul.f32 v36, v36;
	v51 =	vadd.f32 v21, v51;
	v17 =	vmul.f32 v17, v15  }
0xf1: {  	v43 =	vadd.f32 v58, v56;
	v61 =	vmul.f32 v37, v37;
	v45 =	vadd.f32 v60, v20  }
0xf2: {  	v20 =	vadd.f32 v62, v18;
	v58 =	vmul.f32 v41, v41;
	v18 =	vadd.f32 v63, v16  }
0xf3: {  	v56 =	vmul.f32 v35, v35;
	v17 =	vsub.f32 $1.500000000e+00, v17;
	v21 =	vadd.f32 v61, v43  }
0xf4: {  	v16 =	vadd.f32 v58, v45;
	v60 =	vshra.s32 v20, $0x1;
	v45 =	vmul.f32 $5.000000000e-01, v20  }
0xf5: {  	v62 =	vshra.s32 v18, $0x1;
	vm5 =	vle.f32 v20, $1.600000110e-01;
	v15 =	vmul.f32 v17, v15  }
0xf6: {  	[tilespmem:s8+$0x3820] =	vst v30;
	vm4 =	vle.f32 v18, $1.600000110e-01;
	v43 =	vsub.s32 $0x5F3759DF, v60;
	v17 =	vmul.f32 v33, v33  }
0xf7: {  	[tilespmem:s8+$0x5800] =	vst v37;
	v30 =	vshra.s32 v16, $0x1;
	v37 =	vmul.f32 $5.000000000e-01, v16;
	v44 =	vmul.f32 v15, v25  }
0xf8: {  	v15 =	vmul.f32 v38, v38;
	v17 =	vadd.f32 v19, v17;
	v19 =	vmul.f32 v39, v39  }
0xf9: {  	[tilespmem:s8+$0x5810] =	vst v49;
	v49 =	vsub.s32 $0x5F3759DF, v62;
	v42 =	vmul.f32 $5.000000000e-01, v21;
	v58 =	vsub.s32 $0x5F3759DF, v30  }
0xfa: {  	v30 =	vmul.f32 v58, v37;
	v15 =	vadd.f32 v15, v59;
	v19 =	vadd.f32 v19, v51  }
0xfb: {  	[tilespmem:s8+$0x3800] =	vst v46;
	v59 =	vshra.s32 v21, $0x1;
	v17 =	vadd.f32 v56, v17;
	v51 =	vmul.f32 $5.000000000e-01, v18  }
0xfc: {  	[tilespmem:s8+$0x4820] =	vst v31;
	v30 =	vmul.f32 v58, v30;
	v52 =	vsub.s32 $0x5F3759DF, v59;
	v15 =	vadd.f32 v57, v15  }
0xfd: {  	[tilespmem:s8+$0x4800] =	vst v47;
	v61 =	vshra.s32 v19, $0x1;
	v47 =	vmul.f32 $5.000000000e-01, v19;
	v54 =	vmul.f32 $5.000000000e-01, v17  }
0xfe: {  	[tilespmem:s8+$0x3840] =	vst v33;
	v63 =	vshra.s32 v17, $0x1;
	v55 =	vmul.f32 v52, v42;
	v57 =	vmul.f32 v43, v45  }
0xff: {  	[tilespmem:s8+$0x3810] =	vst v48;
	v46 =	vsub.s32 $0x5F3759DF, v61;
	v48 =	vsub.s32 $0x5F3759DF, v63;
	v61 =	vmul.f32 v49, v51  }
0x100: {  	[tilespmem:s8+$0x4810] =	vst v28;
	v28 =	vshra.s32 v15, $0x1;
	v56 =	vmul.f32 $5.000000000e-01, v15;
	v55 =	vmul.f32 v52, v55  }
0x101: {  	[tilespmem:s8+$0x4840] =	vst v34;
	v60 =	vmul.f32 v43, v57;
	v31 =	vmul.f32 v46, v47;
	v28 =	vsub.s32 $0x5F3759DF, v28  }
0x102: {  	[tilespmem:s8+$0x3830] =	vst v29;
	vm7 =	vle.f32 v21, $1.600000110e-01;
	v62 =	vmul.f32 v48, v54;
	v29 =	vmul.f32 v28, v56  }
0x103: {  	[tilespmem:s8+$0x5820] =	vst v39;
	v39 =	vmul.f32 v49, v61;
	v50 =	vsub.f32 $1.500000000e+00, v60;
	v31 =	vmul.f32 v46, v31  }
0x104: {  	[tilespmem:s8+$0x3870] =	vst v24;
	v55 =	vsub.f32 $1.500000000e+00, v55;
	v63 =	vmul.f32 v48, v62;
	v29 =	vmul.f32 v28, v29  }
0x105: {  	[tilespmem:s8+$0x4830] =	vst v32;
	v32 =	vmul.f32 v43, v50;
	v31 =	vsub.f32 $1.500000000e+00, v31;
	v50 =	vsub.f32 $1.500000000e+00, v39  }
0x106: {  	[tilespmem:s8+$0x5830] =	vst v53;
	v52 =	vmul.f32 v52, v55;
	v53 =	vsub.f32 $1.500000000e+00, v63;
	v29 =	vsub.f32 $1.500000000e+00, v29  }
0x107: {  	[tilespmem:s8+$0x4870] =	vst v22;
	v55 =	vmul.f32 v46, v31;
	v33 =	vmul.f32 v49, v50;
	v31 =	vsub.f32 $1.500000000e+00, v30  }
0x108: {  	[tilespmem:s8+$0x5840] =	vst v35;
	vm0 =	vle.f32 v16, $1.600000110e-01;
	v30 =	vmul.f32 v48, v53;
	v57 =	vmul.f32 v52, v42  }
0x109: {  	[tilespmem:s8+$0x5870] =	vst v23;
	v25 =	vsel vm7, $0x1, v1;
	v29 =	vmul.f32 v28, v29;
	v28 =	vmul.f32 v58, v31  }
0x10a: {  	[tilespmem:s8+$0x4850] =	vst v38;
	vm15 =	vle.f32 v19, $1.600000110e-01;
	v31 =	vmul.f32 v32, v45;
	v58 =	vmul.f32 v55, v47  }
0x10b: {  	[tilespmem:s8+$0x3860] =	vst v27;
	vm3 =	vle.f32 v17, $1.600000110e-01;
	v27 =	vmul.f32 v33, v51;
	v59 =	vmul.f32 v30, v54  }
0x10c: {  	[tilespmem:s8+$0x4860] =	vst v26;
	vm2 =	vle.f32 v15, $1.600000110e-01;
	v34 =	vmul.f32 v57, v52;
	v26 =	vmul.f32 v29, v56  }
0x10d: {  	[tilespmem:s8+$0x5850] =	vst v40;
	v61 =	vsel vm15, $0x1, v1;
	v37 =	vmul.f32 v28, v37;
	v31 =	vmul.f32 v31, v32  }
0x10e: {  	[tilespmem:s8+$0x3850] =	vst v36;
	v60 =	vsel vm5, $0x1, v1;
	v24 =	vmul.f32 v58, v55;
	v27 =	vmul.f32 v27, v33  }
0x10f: {  	[tilespmem:s8+$0x5860] =	vst v41;
	v22 =	vsub.f32 $1.500000000e+00, v34;
	v62 =	vmul.f32 v59, v30;
	v26 =	vmul.f32 v26, v29  }
0x110: {  	[tilespmem:s8+$0x7800] =	vst v25;
	v23 =	vsub.f32 $1.500000000e+00, v31;
	v63 =	vsub.f32 $1.500000000e+00, v24;
	v37 =	vmul.f32 v37, v28  }
0x111: {  	[tilespmem:s8+$0x6870] =	vst v44;
	v25 =	vmul.f32 v22, v52;
	v22 =	vsub.f32 $1.500000000e+00, v27;
	v27 =	vsub.f32 $1.500000000e+00, v62  }
0x112: {  	[tilespmem:s8+$0x7820] =	vst v61;
	v24 =	vmul.f32 v23, v32;
	v31 =	vsub.f32 $1.500000000e+00, v26;
	v23 =	vsub.f32 $1.500000000e+00, v37  }
0x113: {  	s30 =	simm.s32 $0x200;
	s16 =	sor.u32 $0x2, s5;
	s0 =	simm.s32 $0x0;
	[tilespmem:s8+$0x7810] =	vst v60;
	v26 =	vmul.f32 v63, v55;
	v22 =	vmul.f32 v22, v33;
	v32 =	vsel vm4, $0x1, v1  }
.LBB2_5:
0x114: {  	v27 =	vmul.f32 v27, v30  }
0x115: {  	s31 =	sshra.s32 s30, $0x2;
	[tilespmem:s8+$0x7830] =	vst v32;
	v30 =	vsel vm3, $0x1, v1;
	v29 =	vmul.f32 v31, v29;
	v21 =	vmul.f32 v25, v21  }
0x116: {  	s0 =	sadd.s32 $0x8, s0;
	v25 =	vsel vm2, $0x1, v1;
	v23 =	vmul.f32 v23, v28;
	v20 =	vmul.f32 v24, v20;
	v31 =	vld.idx.msk [tilespmem:v3+s31+$0x30 ss:$0x1], $0xffff;
	[tilespmem:s8+$0x7840] =	vst v30  }
0x117: {  	s13 =	sadd.s32 $0x80, s13;
	p1 =	slt.u32 s0, $0x78;
	v19 =	vmul.f32 v26, v19;
	v26 =	vsel vm0, $0x1, v1;
	v18 =	vmul.f32 v22, v18;
	v28 =	vld.idx.msk [tilespmem:v5+s31+$0x30 ss:$0x1], $0xffff;
	[tilespmem:s8+$0x7850] =	vst v25  }
0x118: {  	v22 =	vor.u32 s13, v0;
	s19 =	sadd.s32 $0x10, s13;
	v17 =	vmul.f32 v27, v17;
	v30 =	vld.idx.msk [tilespmem:v11+s31+$0x0 ss:$0x1], $0xffff;
	[tilespmem:s8+$0x6800] =	vst v21;
	v21 =	vsel vm1, $0x1, v1  }
0x119: {  	s20 =	sadd.s32 $0x20, s13;
	s21 =	sadd.s32 $0x70, s13;
	v15 =	vmul.f32 v29, v15;
	v16 =	vmul.f32 v23, v16;
	v27 =	vor.u32 s19, v0;
	v25 =	vld.idx.msk [tilespmem:v8+s31+$0x30 ss:$0x1], $0xffff;
	[tilespmem:s8+$0x6810] =	vst v20  }
0x11a: {  	s22 =	sadd.s32 $0x50, s13;
	v29 =	vor.u32 s20, v0;
	s19 =	sadd.s32 $0x30, s13;
	s20 =	sadd.s32 $0x40, s13;
	v23 =	vor.u32 s21, v0;
	v20 =	vld.idx.msk [tilespmem:v13+s31+$0x0 ss:$0x1], $0xffff;
	[tilespmem:s8+$0x6820] =	vst v19  }
0x11b: {  	v32 =	vor.u32 s19, v0;
	v33 =	vor.u32 s20, v0;
	s19 =	sadd.s32 $0x60, s13;
	vm0 =	vlt.u32 v23, v10;
	v19 =	vld.idx.msk [tilespmem:v3+s31+$0xFFFFFFD0 ss:$0x1], $0xffff;
	[tilespmem:s8+$0x6830] =	vst v18  }
0x11c: {  	v34 =	vor.u32 s22, v0;
	v23 =	vsel vm0, v2, v7;
	v35 =	vsel vm0, v4, v9;
	v18 =	vld.idx.msk [tilespmem:v5+s31+$0xFFFFFFD0 ss:$0x1], $0xffff;
	[tilespmem:s8+$0x6840] =	vst v17  }
0x11d: {  	v36 =	vor.u32 s19, v0;
	v24 =	vsub.f32 v23, v31;
	v23 =	vsub.f32 v35, v28;
	v17 =	vld.idx.msk [tilespmem:v3+s31+$0xFFFFFFE0 ss:$0x1], $0xffff;
	[tilespmem:s8+$0x6850] =	vst v15  }
0x11e: {  	vm6 =	vlt.u32 v27, v10;
	vm4 =	vlt.u32 v29, v10;
	v27 =	vsel vm0, v6, v12;
	v15 =	vld.idx.msk [tilespmem:v5+s31+$0xFFFFFFE0 ss:$0x1], $0xffff  }
0x11f: {  	v25 =	vsub.f32 v27, v25;
	v27 =	vmul.f32 v24, v24;
	v29 =	vmul.f32 v23, v23;
	v28 =	vld.idx.msk [tilespmem:v3+s31+$0xFFFFFFF0 ss:$0x1], $0xffff  }
0x120: {  	vm5 =	vlt.u32 v32, v10;
	vm3 =	vlt.u32 v33, v10;
	vm0 =	vlt.u32 v34, v10;
	v31 =	vld.idx.msk [tilespmem:v5+s31+$0xFFFFFFF0 ss:$0x1], $0xffff  }
0x121: {  	vm1 =	vlt.u32 v36, v10;
	v27 =	vadd.f32 v29, v27;
	v29 =	vmul.f32 v25, v25;
	v32 =	vld.idx.msk [tilespmem:v3+s31+$0x0 ss:$0x1], $0xffff  }
0x122: {  	vm2 =	vlt.u32 v22, v10;
	v33 =	vsel vm6, v2, v7;
	v34 =	vsel vm6, v4, v9;
	v35 =	vld.idx.msk [tilespmem:v5+s31+$0x0 ss:$0x1], $0xffff  }
0x123: {  	v37 =	vsel vm4, v4, v9;
	v36 =	vsel vm4, v2, v7;
	v22 =	vadd.f32 v29, v27;
	v38 =	vld.idx.msk [tilespmem:v3+s31+$0x10 ss:$0x1], $0xffff  }
0x124: {  	v39 =	vsel vm3, v2, v7;
	v27 =	vsel vm5, v2, v7;
	v29 =	vsel vm5, v4, v9;
	v40 =	vld.idx.msk [tilespmem:v5+s31+$0x10 ss:$0x1], $0xffff  }
0x125: {  	v41 =	vsel vm3, v4, v9;
	v43 =	vshra.s32 v22, $0x1;
	v44 =	vmul.f32 $5.000000000e-01, v22;
	v42 =	vld.idx.msk [tilespmem:v3+s31+$0x20 ss:$0x1], $0xffff;
	[tilespmem:s8+$0x6860] =	vst v16  }
0x126: {  	v45 =	vsel vm0, v4, v9;
	v16 =	vsel vm0, v2, v7;
	v43 =	vsub.s32 $0x5F3759DF, v43;
	v46 =	vld.idx.msk [tilespmem:v5+s31+$0x20 ss:$0x1], $0xffff;
	[tilespmem:s8+$0x7860] =	vst v26  }
0x127: {  	v47 =	vsel vm1, v2, v7;
	v48 =	vsel vm1, v4, v9;
	v49 =	vmul.f32 v43, v44;
	v26 =	vld.idx.msk [tilespmem:v14+s31+$0x0 ss:$0x1], $0xffff  }
0x128: {  	v50 =	vsel vm2, v2, v7;
	v51 =	vsel vm2, v4, v9;
	v19 =	vsub.f32 v33, v19;
	v52 =	vld.idx.msk [tilespmem:v8+s31+$0xFFFFFFD0 ss:$0x1], $0xffff  }
0x129: {  	v30 =	vsub.f32 v50, v30;
	v20 =	vsub.f32 v51, v20;
	v49 =	vmul.f32 v43, v49;
	v33 =	vld.idx.msk [tilespmem:v8+s31+$0xFFFFFFE0 ss:$0x1], $0xffff  }
0x12a: {  	v18 =	vsub.f32 v34, v18;
	v34 =	vsel vm6, v6, v12;
	v17 =	vsub.f32 v36, v17;
	v36 =	vld.idx.msk [tilespmem:v8+s31+$0xFFFFFFF0 ss:$0x1], $0xffff  }
0x12b: {  	v15 =	vsub.f32 v37, v15;
	v37 =	vsel vm4, v6, v12;
	v49 =	vsub.f32 $1.500000000e+00, v49;
	v50 =	vld.idx.msk [tilespmem:v8+s31+$0x0 ss:$0x1], $0xffff;
	[tilespmem:s8+$0x7870] =	vst v21;
	s8 =	smov.u32 s31  }
0x12c: {  	v21 =	vsub.f32 v27, v28;
	v27 =	vsub.f32 v29, v31;
	v28 =	vsel vm5, v6, v12;
	v29 =	vld.idx.msk [tilespmem:v8+s8+$0x10 ss:$0x1], $0xffff  }
0x12d: {  	v31 =	vsub.f32 v39, v32;
	v32 =	vsub.f32 v41, v35;
	v39 =	vmul.f32 v43, v49;
	v35 =	vld.idx.msk [tilespmem:v8+s8+$0x20 ss:$0x1], $0xffff  }
0x12e: {  	v16 =	vsub.f32 v16, v38;
	v38 =	vsub.f32 v45, v40;
	v41 =	vsel vm3, v6, v12;
	[tilespmem:s8+$0x3800] =	vst v30  }
0x12f: {  	v40 =	vsub.f32 v47, v42;
	v42 =	vsub.f32 v48, v46;
	v43 =	vmul.f32 v39, v44;
	[tilespmem:s8+$0x4800] =	vst v20  }
0x130: {  	v45 =	vsel vm0, v6, v12;
	v46 =	vsel vm1, v6, v12;
	v44 =	vsel vm2, v6, v12;
	[tilespmem:s8+$0x3810] =	vst v19  }
0x131: {  	v30 =	vmul.f32 v30, v30;
	v26 =	vsub.f32 v44, v26;
	v43 =	vmul.f32 v43, v39;
	[tilespmem:s8+$0x4810] =	vst v18  }
0x132: {  	v34 =	vsub.f32 v34, v52;
	v20 =	vmul.f32 v20, v20;
	v19 =	vmul.f32 v19, v19;
	[tilespmem:s8+$0x3820] =	vst v17  }
0x133: {  	v18 =	vmul.f32 v18, v18;
	v17 =	vmul.f32 v17, v17;
	v43 =	vsub.f32 $1.500000000e+00, v43;
	[tilespmem:s8+$0x5800] =	vst v26  }
0x134: {  	v33 =	vsub.f32 v37, v33;
	v37 =	vmul.f32 v15, v15;
	v44 =	vmul.f32 v21, v21;
	[tilespmem:s8+$0x5810] =	vst v34  }
0x135: {  	[tilespmem:s8+$0x4820] =	vst v15;
	v15 =	vsub.f32 v28, v36;
	v28 =	vmul.f32 v27, v27;
	v36 =	vmul.f32 v43, v39  }
0x136: {  	v39 =	vsub.f32 v41, v50;
	v41 =	vmul.f32 v31, v31;
	v43 =	vmul.f32 v32, v32;
	[tilespmem:s8+$0x5820] =	vst v33  }
0x137: {  	v29 =	vsub.f32 v45, v29;
	[tilespmem:s8+$0x3830] =	vst v21;
	v21 =	vmul.f32 v16, v16;
	v36 =	vmul.f32 v36, v22  }
0x138: {  	v45 =	vmul.f32 v40, v40;
	v35 =	vsub.f32 v46, v35;
	[tilespmem:s8+$0x4830] =	vst v27;
	v27 =	vmul.f32 v38, v38  }
0x139: {  	v20 =	vadd.f32 v20, v30;
	v18 =	vadd.f32 v18, v19;
	v19 =	vmul.f32 v42, v42;
	[tilespmem:s8+$0x6870] =	vst v36  }
0x13a: {  	v26 =	vmul.f32 v26, v26;
	v17 =	vadd.f32 v37, v17;
	v28 =	vadd.f32 v28, v44;
	[tilespmem:s8+$0x5830] =	vst v15  }
0x13b: {  	v30 =	vmul.f32 v34, v34;
	v34 =	vadd.f32 v43, v41;
	v27 =	vadd.f32 v27, v21;
	[tilespmem:s8+$0x3840] =	vst v31  }
0x13c: {  	v15 =	vmul.f32 v15, v15;
	v31 =	vmul.f32 v33, v33;
	[tilespmem:s8+$0x4840] =	vst v32;
	v32 =	vadd.f32 v19, v45  }
0x13d: {  	v21 =	vadd.f32 v26, v20;
	v26 =	vmul.f32 v39, v39;
	v33 =	vmul.f32 v29, v29;
	[tilespmem:s8+$0x5840] =	vst v39  }
0x13e: {  	v20 =	vadd.f32 v30, v18;
	v19 =	vadd.f32 v31, v17;
	[tilespmem:s8+$0x3850] =	vst v16;
	v16 =	vmul.f32 v35, v35  }
0x13f: {  	v30 =	vshra.s32 v21, $0x1;
	v18 =	vadd.f32 v15, v28;
	v17 =	vadd.f32 v26, v34;
	[tilespmem:s8+$0x4850] =	vst v38  }
0x140: {  	v26 =	vmul.f32 $5.000000000e-01, v21;
	v15 =	vadd.f32 v33, v27;
	[tilespmem:s8+$0x5850] =	vst v29;
	v16 =	vadd.f32 v16, v32  }
0x141: {  	v27 =	vshra.s32 v20, $0x1;
	v31 =	vmul.f32 $5.000000000e-01, v20;
	v28 =	vshra.s32 v19, $0x1;
	[tilespmem:s8+$0x3860] =	vst v40  }
0x142: {  	v33 =	vmul.f32 $5.000000000e-01, v18;
	v32 =	vmul.f32 $5.000000000e-01, v19;
	v29 =	vshra.s32 v18, $0x1;
	[tilespmem:s8+$0x4860] =	vst v42  }
0x143: {  	v34 =	vshra.s32 v17, $0x1;
	v36 =	vmul.f32 $5.000000000e-01, v17;
	v37 =	vshra.s32 v15, $0x1;
	[tilespmem:s8+$0x5860] =	vst v35  }
0x144: {  	v38 =	vshra.s32 v16, $0x1;
	v39 =	vmul.f32 $5.000000000e-01, v16;
	v35 =	vmul.f32 $5.000000000e-01, v15;
	[tilespmem:s8+$0x3870] =	vst v24  }
0x145: {  	v27 =	vsub.s32 $0x5F3759DF, v27;
	v28 =	vsub.s32 $0x5F3759DF, v28;
	v24 =	vsub.s32 $0x5F3759DF, v30;
	[tilespmem:s8+$0x4870] =	vst v23  }
0x146: {  	v23 =	vsub.s32 $0x5F3759DF, v29;
	v29 =	vsub.s32 $0x5F3759DF, v34;
	v34 =	vsub.s32 $0x5F3759DF, v37;
	[tilespmem:s8+$0x5870] =	vst v25  }
0x147: {  	v30 =	vmul.f32 v27, v31;
	v37 =	vsub.s32 $0x5F3759DF, v38;
	v25 =	vmul.f32 v24, v26  }
0x148: {  	vm7 =	vle.f32 v21, $1.600000110e-01;
	v38 =	vmul.f32 v28, v32;
	v40 =	vmul.f32 v23, v33  }
0x149: {  	vm5 =	vle.f32 v20, $1.600000110e-01;
	v41 =	vmul.f32 v29, v36;
	v42 =	vmul.f32 v34, v35  }
0x14a: {  	vm6 =	vle.f32 v19, $1.600000110e-01;
	v43 =	vmul.f32 v37, v39;
	v25 =	vmul.f32 v24, v25  }
0x14b: {  	vm4 =	vle.f32 v18, $1.600000110e-01;
	v30 =	vmul.f32 v27, v30;
	v38 =	vmul.f32 v28, v38  }
0x14c: {  	v40 =	vmul.f32 v23, v40;
	v41 =	vmul.f32 v29, v41;
	v25 =	vsub.f32 $1.500000000e+00, v25  }
0x14d: {  	v30 =	vsub.f32 $1.500000000e+00, v30;
	v42 =	vmul.f32 v34, v42;
	v43 =	vmul.f32 v37, v43  }
0x14e: {  	v24 =	vmul.f32 v24, v25;
	v25 =	vsub.f32 $1.500000000e+00, v38;
	v38 =	vsub.f32 $1.500000000e+00, v40  }
0x14f: {  	v40 =	vmul.f32 v27, v30;
	v27 =	vsub.f32 $1.500000000e+00, v41;
	v41 =	vsub.f32 $1.500000000e+00, v42  }
0x150: {  	v42 =	vmul.f32 v28, v25;
	v38 =	vmul.f32 v23, v38;
	v23 =	vsub.f32 $1.500000000e+00, v43  }
0x151: {  	vm3 =	vle.f32 v17, $1.600000110e-01;
	v30 =	vmul.f32 v29, v27;
	v29 =	vmul.f32 v34, v41  }
0x152: {  	vm2 =	vle.f32 v15, $1.600000110e-01;
	v25 =	vmul.f32 v24, v26;
	v28 =	vmul.f32 v37, v23  }
0x153: {  	vm0 =	vle.f32 v16, $1.600000110e-01;
	v23 =	vmul.f32 v40, v31;
	v26 =	vmul.f32 v42, v32  }
0x154: {  	vm1 =	vle.f32 v22, $1.600000110e-01;
	v27 =	vmul.f32 v38, v33;
	v31 =	vmul.f32 v30, v36  }
0x155: {  	v22 =	vsel vm7, $0x1, v1;
	v32 =	vmul.f32 v29, v35;
	v33 =	vmul.f32 v28, v39  }
0x156: {  	v25 =	vmul.f32 v25, v24;
	[tilespmem:s8+$0x7800] =	vst v22;
	v22 =	vmul.f32 v23, v40;
	v23 =	vsel vm5, $0x1, v1  }
0x157: {  	v27 =	vmul.f32 v27, v38;
	[tilespmem:s8+$0x7810] =	vst v23;
	v23 =	vmul.f32 v26, v42;
	v26 =	vsel vm6, $0x1, v1  }
.Ltmp1:
0x158: {  	v25 =	vsub.f32 $1.500000000e+00, v25;
	[tilespmem:s8+$0x7820] =	vst v26;
	v26 =	vmul.f32 v31, v30;
	v31 =	vmul.f32 v32, v29;
	(pc) =	sbr.rel @p1 .LBB2_5-.Ltmp1, $4  }
0x159: {  	v22 =	vsub.f32 $1.500000000e+00, v22;
	v32 =	vsub.f32 $1.500000000e+00, v23;
	v23 =	vmul.f32 v33, v28  }
0x15a: {  	v25 =	vmul.f32 v25, v24;
	v33 =	vsub.f32 $1.500000000e+00, v27;
	v27 =	vsub.f32 $1.500000000e+00, v26  }
0x15b: {  	v24 =	vmul.f32 v22, v40;
	v31 =	vsub.f32 $1.500000000e+00, v31;
	v23 =	vsub.f32 $1.500000000e+00, v23  }
0x15c: {  	s30 =	sadd.s32 $0x200, s30;
	v26 =	vmul.f32 v32, v42;
	v22 =	vmul.f32 v33, v38;
	v32 =	vsel vm4, $0x1, v1  }
0x15d: {  	[tilespmem:s8+$0x7830] =	vst v32;
	v2 =	vsel vm3, $0x1, v1  }
0x15e: {  	v3 =	vmul.f32 v25, v21;
	[tilespmem:s8+$0x7840] =	vst v2;
	v2 =	vsel vm2, $0x1, v1  }
0x15f: {  	v4 =	vmul.f32 v24, v20;
	[tilespmem:s8+$0x7850] =	vst v2  }
0x160: {  	v5 =	vmul.f32 v26, v19;
	v2 =	vmul.f32 v27, v30;
	[tilespmem:s8+$0x6800] =	vst v3  }
0x161: {  	v6 =	vmul.f32 v22, v18;
	v3 =	vmul.f32 v31, v29;
	[tilespmem:s8+$0x6810] =	vst v4  }
0x162: {  	v4 =	vmul.f32 v23, v28;
	[tilespmem:s8+$0x6820] =	vst v5;
	v2 =	vmul.f32 v2, v17  }
0x163: {  	[tilespmem:s8+$0x6830] =	vst v6;
	v3 =	vmul.f32 v3, v15  }
0x164: {  	v4 =	vmul.f32 v4, v16;
	[tilespmem:s8+$0x6840] =	vst v2  }
0x165: {  	[tilespmem:s8+$0x6850] =	vst v3  }
0x166: {  	v2 =	vsel vm0, $0x1, v1;
	[tilespmem:s8+$0x6860] =	vst v4  }
0x167: {  	s0 =	sshll.u32 s5, $0x8;
	v3 =	vsel vm1, $0x1, v1;
	[tilespmem:s8+$0x7860] =	vst v2  }
0x168: {  	s20 =	simm.s32 $0x3000;
	s5 =	sadd.s32 s1, s0;
	[tilespmem:s8+$0x7870] =	vst v3  }
0x169: {  	[hbm4b:s5+s4] =	stream.linear.scatter [tilespmem:s20], [sflag:$0x1], $0x1000, $0x38;
	[tilespmem:$0xD000] =	vst v63  }
0x16a: {  	s22 =	simm.s32 $0x4000;
	s21 =	sadd.s32 s9, s0  }
0x16b: {  	[hbm4b:s21+s4] =	stream.linear.scatter [tilespmem:s22], [sflag:$0x1], $0x1000, $0x38;
	[tilespmem:$0xD000] =	vst v63  }
0x16c: {  	s31 =	simm.s32 $0x5000;
	s23 =	sadd.s32 s10, s0  }
0x16d: {  	[hbm4b:s23+s4] =	stream.linear.scatter [tilespmem:s31], [sflag:$0x1], $0x1000, $0x38;
	[tilespmem:$0xD000] =	vst v63  }
0x16e: {  	s19 =	simm.s32 $0x6000;
	s13 =	sadd.s32 s2, s0  }
0x16f: {  	[hbm4b:s13+s4] =	stream.linear.scatter [tilespmem:s19], [sflag:$0x1], $0x1000, $0x38;
	[tilespmem:$0xD000] =	vst v63  }
0x170: {  	s0 =	sadd.s32 s3, s0;
	s20 =	simm.s32 $0x7000  }
0x171: {  	[hbm4b:s0+s4] =	stream.linear.scatter [tilespmem:s20], [sflag:$0x1], $0x1000, $0x38;
	[tilespmem:$0xD000] =	vst v63  }
0x172: {  	s0 =	simm.s32 @!p0 $0x2  }
0x173: {  	_ =	swait.ge @!p0 [sflag:s0], $0x1000  }
0x174: {  	[sflag:s0] =	ssyncset.done @!p0 $0x0  }
0x175: {  	[sflag:s0] =	ssyncadd.s32 @!p0 $0xFFFFF000  }
0x176: {  	_ =	swait.ge @!p0 [sflag:s0], $0x1000  }
0x177: {  	[sflag:s0] =	ssyncset.done @!p0 $0x0  }
0x178: {  	[sflag:s0] =	ssyncadd.s32 @!p0 $0xFFFFF000  }
0x179: {  	_ =	swait.ge @!p0 [sflag:s0], $0x1000  }
0x17a: {  	[sflag:s0] =	ssyncset.done @!p0 $0x0  }
0x17b: {  	[sflag:s0] =	ssyncadd.s32 @!p0 $0xFFFFF000  }
0x17c: {  	s5 =	smin.u32 s16, $0x7FD;
	_ =	swait.ge @!p0 [sflag:s0], $0x1000  }
0x17d: {  	v6 =	vmov s5;
	[sflag:s0] =	ssyncset.done @!p0 $0x0  }
0x17e: {  	[sflag:s0] =	ssyncadd.s32 @!p0 $0xFFFFF000  }
0x17f: {  	_ =	swait.ge @!p0 [sflag:s0], $0x1000  }
0x180: {  	v10 =	vadd.s32 $0x1, v6;
	[sflag:s0] =	ssyncset.done @!p0 $0x0  }
0x181: {  	s6 =	smin.u32 s6, $0x7FD;
	s21 =	simm.s32 $0x0;
	[sflag:s0] =	ssyncadd.s32 @!p0 $0xFFFFF000  }
0x182: {  	s22 =	sadd.s32 $0x41, s6;
	v2 =	vld.idx.msk [tilespmem:v6+s21+$0x0], $0xffff  }
0x183: {  	v3 =	vmov s22;
	s13 =	sadd.s32 $0x1071, s6;
	v4 =	vld.idx.msk [tilespmem:v6+s17+$0x0], $0xffff  }
0x184: {  	s23 =	sadd.s32 $0x2071, s6;
	v5 =	vmov s13;
	v6 =	vld.idx.msk [tilespmem:v6+s18+$0x0], $0xffff  }
0x185: {  	v8 =	vmov s23;
	v7 =	vld.idx.msk [tilespmem:v10+s21+$0x0], $0xffff  }
0x186: {  	s16 =	simm.s32 $0x10;
	s31 =	sxor.u32 $0x7FF, s5;
	v9 =	vld.idx.msk [tilespmem:v10+s17+$0x0], $0xffff  }
0x187: {  	s8 =	simm.s32 $0x0;
	v16 =	vor.u32 s16, v0;
	v11 =	vmov s31;
	s31 =	simm.s32 $0x60;
	s13 =	simm.s32 $0x70;
	v10 =	vld.idx.msk [tilespmem:v10+s18+$0x0], $0xffff  }
0x188: {  	s19 =	simm.s32 $0x30;
	vm5 =	vlt.u32 v16, v11;
	v16 =	vor.u32 s31, v0;
	s20 =	simm.s32 $0x20;
	v15 =	vor.u32 s13, v0;
	v12 =	vld.idx.msk [tilespmem:v3+s8+$0x30 ss:$0x1], $0xffff  }
0x189: {  	v17 =	vor.u32 s20, v0;
	vm0 =	vlt.u32 v15, v11;
	v15 =	vor.u32 s19, v0;
	v13 =	vld.idx.msk [tilespmem:v5+s8+$0x0 ss:$0x1], $0xffff;
	s21 =	simm.s32 $0x0  }
0x18a: {  	vm4 =	vlt.u32 v17, v11;
	vm3 =	vlt.u32 v15, v11;
	v14 =	vld.idx.msk [tilespmem:v8+s8+$0x0 ss:$0x1], $0xffff;
	v21 =	vor.u32 s21, v0  }
0x18b: {  	v22 =	vld.idx.msk [tilespmem:v3+s8+$0xFFFFFFC0 ss:$0x1], $0xffff;
	vm6 =	vlt.u32 v21, v11;
	v18 =	vsel vm0, v2, v7;
	v19 =	vsel vm0, v4, v9  }
0x18c: {  	v24 =	vld.idx.msk [tilespmem:v5+s8+$0xFFFFFF90 ss:$0x1], $0xffff;
	v20 =	vsel vm0, v6, v10;
	v15 =	vsel vm6, v2, v7;
	vm0 =	vlt.u32 v16, v11  }
0x18d: {  	v26 =	vld.idx.msk [tilespmem:v3+s8+$0xFFFFFFF0 ss:$0x1], $0xffff;
	v16 =	vsel vm6, v4, v9;
	v27 =	vsel vm4, v2, v7;
	v31 =	vsel vm4, v4, v9  }
0x18e: {  	s22 =	simm.s32 $0x40;
	s23 =	simm.s32 $0x50;
	v50 =	vsel vm3, v2, v7;
	v34 =	vsel vm3, v4, v9;
	v12 =	vsub.f32 v18, v12  }
0x18f: {  	v25 =	vld.idx.msk [tilespmem:v3+s8+$0xFFFFFFD0 ss:$0x1], $0xffff;
	v19 =	vsub.f32 v19, v13;
	v13 =	vor.u32 s22, v0;
	v18 =	vor.u32 s23, v0  }
0x190: {  	v52 =	vld.idx.msk [tilespmem:v8+s8+$0xFFFFFF90 ss:$0x1], $0xffff;
	v20 =	vsub.f32 v20, v14;
	v42 =	vsel vm0, v2, v7;
	v43 =	vsel vm0, v4, v9  }
0x191: {  	v30 =	vld.idx.msk [tilespmem:v5+s8+$0xFFFFFFC0 ss:$0x1], $0xffff;
	v45 =	vsub.f32 v15, v22;
	v24 =	vsub.f32 v16, v24;
	v15 =	vsel vm6, v6, v10  }
0x192: {  	v33 =	vld.idx.msk [tilespmem:v3+s8+$0x0 ss:$0x1], $0xffff;
	v26 =	vsub.f32 v50, v26;
	v14 =	vmul.f32 v12, v12;
	v23 =	vmul.f32 v19, v19  }
0x193: {  	v37 =	vld.idx.msk [tilespmem:v5+s8+$0xFFFFFFD0 ss:$0x1], $0xffff;
	v59 =	vsel vm0, v6, v10;
	vm2 =	vlt.u32 v13, v11;
	vm1 =	vlt.u32 v18, v11  }
0x194: {  	v13 =	vld.idx.msk [tilespmem:v3+s8+$0xFFFFFFE0 ss:$0x1], $0xffff;
	v18 =	vsel vm5, v4, v9;
	v17 =	vmul.f32 v20, v20;
	v14 =	vadd.f32 v23, v14  }
0x195: {  	v41 =	vld.idx.msk [tilespmem:v3+s8+$0x10 ss:$0x1], $0xffff;
	v32 =	vsub.f32 v15, v52;
	v35 =	vsel vm2, v2, v7;
	v38 =	vsel vm2, v4, v9  }
0x196: {  	v39 =	vsel vm1, v2, v7;
	v40 =	vsel vm1, v4, v9;
	v23 =	vld.idx.msk [tilespmem:v5+s8+$0xFFFFFFA0 ss:$0x1], $0xffff;
	v21 =	vadd.f32 v17, v14  }
0x197: {  	v54 =	vsel vm2, v6, v10;
	v55 =	vsel vm1, v6, v10;
	v57 =	vmul.f32 v45, v45;
	v14 =	vld.idx.msk [tilespmem:v5+s8+$0xFFFFFFB0 ss:$0x1], $0xffff  }
0x198: {  	v16 =	vld.idx.msk [tilespmem:v3+s8+$0x20 ss:$0x1], $0xffff;
	v58 =	vmul.f32 v24, v24;
	v28 =	vshra.s32 v21, $0x1;
	v29 =	vmul.f32 $5.000000000e-01, v21  }
0x199: {  	v50 =	vld.idx.msk [tilespmem:v8+s8+$0xFFFFFFF0 ss:$0x1], $0xffff;
	v17 =	vsel vm5, v2, v7;
	v27 =	vsub.f32 v27, v13;
	v28 =	vsub.s32 $0x5F3759DF, v28  }
0x19a: {  	v56 =	vld.idx.msk [tilespmem:v8+s8+$0xFFFFFFC0 ss:$0x1], $0xffff;
	v13 =	vsel vm4, v6, v10;
	v25 =	vsub.f32 v17, v25;
	v36 =	vmul.f32 v28, v29  }
0x19b: {  	v44 =	vld.idx.msk [tilespmem:v5+s8+$0xFFFFFFE0 ss:$0x1], $0xffff;
	v17 =	vsel vm5, v6, v10;
	v15 =	vmul.f32 v27, v27;
	vm2 =	vle.f32 v21, $1.600000110e-01  }
0x19c: {  	v51 =	vld.idx.msk [tilespmem:v5+s8+$0xFFFFFFF0 ss:$0x1], $0xffff;
	v46 =	vsub.f32 v18, v23;
	v31 =	vsub.f32 v31, v14;
	v36 =	vmul.f32 v28, v36  }
0x19d: {  	v53 =	vld.idx.msk [tilespmem:v8+s8+$0xFFFFFFA0 ss:$0x1], $0xffff;
	v18 =	vsel vm3, v6, v10;
	v23 =	vsub.f32 v42, v16;
	v61 =	vmul.f32 v25, v25  }
0x19e: {  	v60 =	vld.idx.msk [tilespmem:v8+s8+$0xFFFFFFD0 ss:$0x1], $0xffff;
	v42 =	vsub.f32 v59, v50;
	v49 =	vmul.f32 v31, v31;
	v22 =	vsub.f32 $1.500000000e+00, v36  }
0x19f: {  	v48 =	vld.idx.msk [tilespmem:v8+s8+$0xFFFFFFE0 ss:$0x1], $0xffff;
	v47 =	vmul.f32 v46, v46;
	v63 =	vmul.f32 v23, v23;
	v36 =	vsub.f32 v18, v56  }
0x1a0: {  	v15 =	vadd.f32 v49, v15;
	v14 =	vmul.f32 v28, v22;
	v28 =	vsub.f32 v34, v30  }
0x1a1: {  	v56 =	vmul.f32 v32, v32;
	v30 =	vsub.f32 v35, v33;
	v33 =	vsub.f32 v38, v37  }
0x1a2: {  	v34 =	vsub.f32 v39, v41;
	v38 =	vsub.f32 v40, v44;
	v29 =	vmul.f32 v14, v29  }
0x1a3: {  	v22 =	vsub.f32 v43, v51;
	v35 =	vsub.f32 v17, v53;
	v17 =	vmul.f32 v26, v26  }
0x1a4: {  	v16 =	vld.idx.msk [tilespmem:v8+s8+$0xFFFFFFB0 ss:$0x1], $0xffff;
	v37 =	vsub.f32 v54, v60;
	v39 =	vsub.f32 v55, v48;
	v29 =	vmul.f32 v29, v14  }
0x1a5: {  	v44 =	vadd.f32 v47, v61;
	v53 =	vmul.f32 v36, v36;
	v61 =	vmul.f32 v42, v42  }
0x1a6: {  	v18 =	vmul.f32 v33, v33;
	v52 =	vmul.f32 v22, v22;
	v29 =	vsub.f32 $1.500000000e+00, v29  }
0x1a7: {  	v40 =	vadd.f32 v58, v57;
	v62 =	vmul.f32 v38, v38;
	v57 =	vmul.f32 v35, v35  }
0x1a8: {  	v60 =	vmul.f32 v39, v39;
	v48 =	vadd.f32 v52, v63;
	v14 =	vmul.f32 v29, v14  }
0x1a9: {  	v29 =	vsub.f32 v13, v16;
	v13 =	vmul.f32 v28, v28;
	v16 =	vmul.f32 v30, v30  }
0x1aa: {  	[tilespmem:s8+$0x8070] =	vst v12;
	v12 =	vadd.f32 v61, v48;
	v51 =	vmul.f32 v14, v21;
	v14 =	vmul.f32 v34, v34  }
0x1ab: {  	v58 =	vmul.f32 v29, v29;
	v13 =	vadd.f32 v13, v17;
	v59 =	vadd.f32 v18, v16  }
0x1ac: {  	vm1 =	vle.f32 v12, $1.600000110e-01;
	v18 =	vadd.f32 v56, v40;
	v17 =	vadd.f32 v57, v44  }
0x1ad: {  	v43 =	vadd.f32 v62, v14;
	v14 =	vmul.f32 v37, v37;
	v16 =	vadd.f32 v58, v15  }
0x1ae: {  	v62 =	vshra.s32 v18, $0x1;
	v15 =	vadd.f32 v53, v13;
	v47 =	vmul.f32 $5.000000000e-01, v18  }
0x1af: {  	[tilespmem:s8+$0x8000] =	vst v45;
	v63 =	vshra.s32 v17, $0x1;
	v41 =	vmul.f32 $5.000000000e-01, v17;
	v58 =	vshra.s32 v12, $0x1  }
0x1b0: {  	[tilespmem:s8+$0x8020] =	vst v27;
	v53 =	vmul.f32 $5.000000000e-01, v12;
	vm6 =	vle.f32 v18, $1.600000110e-01;
	v27 =	vsub.s32 $0x5F3759DF, v62  }
0x1b1: {  	[tilespmem:s8+$0x9000] =	vst v24;
	v40 =	vsub.s32 $0x5F3759DF, v63;
	v14 =	vadd.f32 v14, v59;
	v13 =	vadd.f32 v60, v43  }
0x1b2: {  	[tilespmem:s8+$0x8030] =	vst v26;
	v56 =	vshra.s32 v16, $0x1;
	v45 =	vmul.f32 $5.000000000e-01, v16;
	v24 =	vshra.s32 v15, $0x1  }
0x1b3: {  	[tilespmem:s8+$0x8010] =	vst v25;
	v48 =	vmul.f32 $5.000000000e-01, v15;
	v26 =	vmul.f32 v27, v47;
	v60 =	vsub.s32 $0x5F3759DF, v58  }
0x1b4: {  	[tilespmem:s8+$0x9010] =	vst v46;
	v59 =	vmul.f32 v40, v41;
	v43 =	vsub.s32 $0x5F3759DF, v56;
	v63 =	vmul.f32 v60, v53  }
0x1b5: {  	[tilespmem:s8+$0x9020] =	vst v31;
	v24 =	vsub.s32 $0x5F3759DF, v24;
	v49 =	vmul.f32 $5.000000000e-01, v14;
	v46 =	vmul.f32 $5.000000000e-01, v13  }
0x1b6: {  	[tilespmem:s8+$0x9030] =	vst v28;
	v25 =	vshra.s32 v14, $0x1;
	v28 =	vmul.f32 v43, v45;
	v61 =	vmul.f32 v24, v48  }
0x1b7: {  	[tilespmem:s8+$0xA020] =	vst v29;
	v57 =	vshra.s32 v13, $0x1;
	v26 =	vmul.f32 v27, v26;
	v29 =	vmul.f32 v40, v59  }
0x1b8: {  	[tilespmem:s8+$0xA010] =	vst v35;
	v25 =	vsub.s32 $0x5F3759DF, v25;
	v31 =	vsub.s32 $0x5F3759DF, v57;
	v35 =	vmul.f32 v60, v63  }
0x1b9: {  	[tilespmem:s8+$0x9070] =	vst v19;
	vm5 =	vle.f32 v17, $1.600000110e-01;
	v62 =	vmul.f32 v25, v49;
	v54 =	vmul.f32 v31, v46  }
0x1ba: {  	[tilespmem:s8+$0xA070] =	vst v20;
	v28 =	vmul.f32 v43, v28;
	v26 =	vsub.f32 $1.500000000e+00, v26;
	v52 =	vmul.f32 v24, v61  }
0x1bb: {  	[tilespmem:s8+$0xA000] =	vst v32;
	v29 =	vsub.f32 $1.500000000e+00, v29;
	v32 =	vmul.f32 v25, v62;
	v55 =	vmul.f32 v31, v54  }
0x1bc: {  	[tilespmem:s8+$0x8040] =	vst v30;
	v30 =	vmul.f32 v27, v26;
	v26 =	vsub.f32 $1.500000000e+00, v28;
	v27 =	vsub.f32 $1.500000000e+00, v52  }
0x1bd: {  	[tilespmem:s8+$0x8060] =	vst v23;
	v56 =	vmul.f32 v40, v29;
	v29 =	vsub.f32 $1.500000000e+00, v32;
	v57 =	vsub.f32 $1.500000000e+00, v55  }
0x1be: {  	[tilespmem:s8+$0xA060] =	vst v42;
	v28 =	vmul.f32 v43, v26;
	v27 =	vmul.f32 v24, v27;
	v24 =	vsub.f32 $1.500000000e+00, v35  }
0x1bf: {  	[tilespmem:s8+$0xA030] =	vst v36;
	v21 =	vsel vm6, $0x1, v1;
	v26 =	vmul.f32 v25, v29;
	v25 =	vmul.f32 v31, v57  }
0x1c0: {  	[tilespmem:s8+$0x9040] =	vst v33;
	vm7 =	vle.f32 v16, $1.600000110e-01;
	v29 =	vmul.f32 v30, v47;
	v24 =	vmul.f32 v60, v24  }
0x1c1: {  	[tilespmem:s8+$0xA040] =	vst v37;
	vm0 =	vle.f32 v15, $1.600000110e-01;
	v31 =	vmul.f32 v56, v41;
	v58 =	vmul.f32 v28, v45  }
0x1c2: {  	[tilespmem:s8+$0x8050] =	vst v34;
	vm4 =	vle.f32 v14, $1.600000110e-01;
	v23 =	vmul.f32 v27, v48;
	v59 =	vmul.f32 v26, v49  }
0x1c3: {  	[tilespmem:s8+$0x9060] =	vst v22;
	vm3 =	vle.f32 v13, $1.600000110e-01;
	v22 =	vmul.f32 v25, v46;
	v60 =	vmul.f32 v24, v53  }
0x1c4: {  	[tilespmem:s8+$0x9050] =	vst v38;
	v61 =	vsel vm5, $0x1, v1;
	v29 =	vmul.f32 v29, v30;
	v31 =	vmul.f32 v31, v56  }
0x1c5: {  	[tilespmem:s8+$0xA050] =	vst v39;
	v62 =	vsel vm7, $0x1, v1;
	v19 =	vmul.f32 v58, v28;
	v23 =	vmul.f32 v23, v27  }
0x1c6: {  	[tilespmem:s8+$0xB070] =	vst v51;
	v20 =	vsub.f32 $1.500000000e+00, v29;
	v34 =	vmul.f32 v59, v26;
	v63 =	vmul.f32 v22, v25  }
0x1c7: {  	[tilespmem:s8+$0xC000] =	vst v21;
	v21 =	vsub.f32 $1.500000000e+00, v31;
	v29 =	vsub.f32 $1.500000000e+00, v19;
	v19 =	vmul.f32 v60, v24  }
0x1c8: {  	[tilespmem:s8+$0xC010] =	vst v61;
	v20 =	vmul.f32 v20, v30;
	v30 =	vsub.f32 $1.500000000e+00, v23;
	v22 =	vsub.f32 $1.500000000e+00, v34  }
0x1c9: {  	s30 =	simm.s32 $0x200;
	s16 =	sadd.s32 $0x1, s5;
	s0 =	simm.s32 $0x0;
	[tilespmem:s8+$0xC020] =	vst v62;
	v21 =	vmul.f32 v21, v56;
	v23 =	vsub.f32 $1.500000000e+00, v63;
	v19 =	vsub.f32 $1.500000000e+00, v19  }
.LBB2_7:
0x1ca: {  	s31 =	sshra.s32 s30, $0x2;
	v28 =	vmul.f32 v29, v28;
	v27 =	vmul.f32 v30, v27;
	v29 =	vsel vm0, $0x1, v1  }
0x1cb: {  	s0 =	sadd.s32 $0x8, s0;
	v22 =	vmul.f32 v22, v26;
	v26 =	vsel vm4, $0x1, v1;
	v30 =	vld.idx.msk [tilespmem:v3+s31+$0x30 ss:$0x1], $0xffff;
	[tilespmem:s8+$0xC030] =	vst v29;
	v23 =	vmul.f32 v23, v25  }
0x1cc: {  	v18 =	vmul.f32 v20, v18;
	v20 =	vsel vm3, $0x1, v1;
	p0 =	slt.u32 s0, $0x78;
	v19 =	vmul.f32 v19, v24;
	v25 =	vld.idx.msk [tilespmem:v5+s31+$0x0 ss:$0x1], $0xffff;
	[tilespmem:s8+$0xC040] =	vst v26  }
0x1cd: {  	v17 =	vmul.f32 v21, v17;
	v16 =	vmul.f32 v28, v16;
	v26 =	vsel vm1, $0x1, v1;
	v24 =	vld.idx.msk [tilespmem:v3+s31+$0xFFFFFFC0 ss:$0x1], $0xffff;
	[tilespmem:s8+$0xC050] =	vst v20  }
0x1ce: {  	s13 =	sadd.s32 $0x80, s13;
	v15 =	vmul.f32 v27, v15;
	v14 =	vmul.f32 v22, v14;
	v21 =	vld.idx.msk [tilespmem:v8+s31+$0x0 ss:$0x1], $0xffff;
	[tilespmem:s8+$0xB000] =	vst v18;
	v18 =	vsel vm2, $0x1, v1  }
0x1cf: {  	s19 =	sadd.s32 $0xFFFFFFA0, s13;
	s20 =	sadd.s32 $0xFFFFFFB0, s13;
	s21 =	sadd.s32 $0xFFFFFFC0, s13;
	v20 =	vor.u32 s13, v0;
	v13 =	vmul.f32 v23, v13;
	v12 =	vmul.f32 v19, v12;
	v22 =	vld.idx.msk [tilespmem:v5+s31+$0xFFFFFF90 ss:$0x1], $0xffff;
	[tilespmem:s8+$0xB010] =	vst v17  }
0x1d0: {  	s22 =	sadd.s32 $0xFFFFFFF0, s13;
	v19 =	vor.u32 s20, v0;
	s20 =	sadd.s32 $0xFFFFFFE0, s13;
	vm0 =	vlt.u32 v20, v11;
	v17 =	vor.u32 s19, v0;
	s19 =	sadd.s32 $0xFFFFFFD0, s13;
	v23 =	vld.idx.msk [tilespmem:v3+s31+$0xFFFFFFD0 ss:$0x1], $0xffff;
	[tilespmem:s8+$0xB020] =	vst v16  }
0x1d1: {  	s23 =	sadd.s32 $0xFFFFFF90, s13;
	v27 =	vor.u32 s21, v0;
	v20 =	vsel vm0, v2, v7;
	v28 =	vsel vm0, v4, v9;
	v16 =	vld.idx.msk [tilespmem:v5+s31+$0xFFFFFFA0 ss:$0x1], $0xffff;
	[tilespmem:s8+$0xB030] =	vst v15  }
0x1d2: {  	v30 =	vsub.f32 v20, v30;
	v15 =	vor.u32 s23, v0;
	v20 =	vsub.f32 v28, v25;
	v29 =	vld.idx.msk [tilespmem:v3+s31+$0xFFFFFFE0 ss:$0x1], $0xffff;
	[tilespmem:s8+$0xB040] =	vst v14  }
0x1d3: {  	v31 =	vsel vm0, v6, v10;
	v25 =	vor.u32 s19, v0;
	v28 =	vor.u32 s20, v0;
	v14 =	vld.idx.msk [tilespmem:v5+s31+$0xFFFFFFB0 ss:$0x1], $0xffff;
	[tilespmem:s8+$0xB050] =	vst v13  }
0x1d4: {  	v21 =	vsub.f32 v31, v21;
	v31 =	vmul.f32 v30, v30;
	v32 =	vmul.f32 v20, v20;
	v13 =	vld.idx.msk [tilespmem:v3+s31+$0xFFFFFFF0 ss:$0x1], $0xffff  }
0x1d5: {  	vm5 =	vlt.u32 v17, v11;
	v17 =	vor.u32 s22, v0;
	vm6 =	vlt.u32 v15, v11;
	v15 =	vld.idx.msk [tilespmem:v5+s31+$0xFFFFFFC0 ss:$0x1], $0xffff;
	[tilespmem:s8+$0xB060] =	vst v12  }
0x1d6: {  	vm4 =	vlt.u32 v19, v11;
	v19 =	vadd.f32 v32, v31;
	v31 =	vmul.f32 v21, v21;
	v12 =	vld.idx.msk [tilespmem:v3+s31+$0x0 ss:$0x1], $0xffff  }
0x1d7: {  	vm3 =	vlt.u32 v27, v11;
	vm2 =	vlt.u32 v25, v11;
	vm1 =	vlt.u32 v28, v11;
	v25 =	vld.idx.msk [tilespmem:v5+s31+$0xFFFFFFD0 ss:$0x1], $0xffff  }
0x1d8: {  	vm0 =	vlt.u32 v17, v11;
	v27 =	vsel vm6, v2, v7;
	v19 =	vadd.f32 v31, v19;
	v28 =	vld.idx.msk [tilespmem:v3+s31+$0x10 ss:$0x1], $0xffff  }
0x1d9: {  	v17 =	vsel vm6, v4, v9;
	v32 =	vsel vm5, v4, v9;
	v31 =	vsel vm5, v2, v7;
	v33 =	vld.idx.msk [tilespmem:v5+s31+$0xFFFFFFE0 ss:$0x1], $0xffff  }
0x1da: {  	v34 =	vsel vm4, v2, v7;
	v36 =	vshra.s32 v19, $0x1;
	v37 =	vmul.f32 $5.000000000e-01, v19;
	v35 =	vld.idx.msk [tilespmem:v3+s31+$0x20 ss:$0x1], $0xffff;
	[tilespmem:s8+$0xC060] =	vst v26  }
0x1db: {  	v38 =	vsel vm3, v2, v7;
	v26 =	vsel vm4, v4, v9;
	v36 =	vsub.s32 $0x5F3759DF, v36;
	v39 =	vld.idx.msk [tilespmem:v5+s31+$0xFFFFFFF0 ss:$0x1], $0xffff;
	[tilespmem:s8+$0xC070] =	vst v18;
	s8 =	smov.u32 s31  }
0x1dc: {  	v40 =	vsel vm3, v4, v9;
	v41 =	vsel vm2, v2, v7;
	v42 =	vmul.f32 v36, v37;
	v18 =	vld.idx.msk [tilespmem:v8+s8+$0xFFFFFF90 ss:$0x1], $0xffff  }
0x1dd: {  	v44 =	vsel vm2, v4, v9;
	v45 =	vsel vm1, v2, v7;
	v46 =	vsel vm1, v4, v9;
	v43 =	vld.idx.msk [tilespmem:v8+s8+$0xFFFFFFA0 ss:$0x1], $0xffff  }
0x1de: {  	v48 =	vsel vm0, v2, v7;
	v49 =	vsel vm0, v4, v9;
	v42 =	vmul.f32 v36, v42;
	v47 =	vld.idx.msk [tilespmem:v8+s8+$0xFFFFFFB0 ss:$0x1], $0xffff  }
0x1df: {  	v24 =	vsub.f32 v27, v24;
	v17 =	vsub.f32 v17, v22;
	v22 =	vsel vm6, v6, v10;
	v27 =	vld.idx.msk [tilespmem:v8+s8+$0xFFFFFFC0 ss:$0x1], $0xffff  }
0x1e0: {  	v23 =	vsub.f32 v31, v23;
	v31 =	vsel vm5, v6, v10;
	v42 =	vsub.f32 $1.500000000e+00, v42;
	v50 =	vld.idx.msk [tilespmem:v8+s8+$0xFFFFFFD0 ss:$0x1], $0xffff;
	[tilespmem:s8+$0x8070] =	vst v30  }
0x1e1: {  	v16 =	vsub.f32 v32, v16;
	v29 =	vsub.f32 v34, v29;
	v30 =	vsel vm4, v6, v10;
	v32 =	vld.idx.msk [tilespmem:v8+s8+$0xFFFFFFE0 ss:$0x1], $0xffff  }
0x1e2: {  	v13 =	vsub.f32 v38, v13;
	v14 =	vsub.f32 v26, v14;
	v34 =	vmul.f32 v36, v42;
	v26 =	vld.idx.msk [tilespmem:v8+s8+$0xFFFFFFF0 ss:$0x1], $0xffff  }
0x1e3: {  	v15 =	vsub.f32 v40, v15;
	v12 =	vsub.f32 v41, v12;
	v36 =	vsel vm3, v6, v10;
	[tilespmem:s8+$0x8000] =	vst v24  }
0x1e4: {  	v25 =	vsub.f32 v44, v25;
	v28 =	vsub.f32 v45, v28;
	v37 =	vmul.f32 v34, v37;
	[tilespmem:s8+$0x9000] =	vst v17  }
0x1e5: {  	v38 =	vsel vm2, v6, v10;
	v33 =	vsub.f32 v46, v33;
	v35 =	vsub.f32 v48, v35;
	[tilespmem:s8+$0x8010] =	vst v23  }
0x1e6: {  	v40 =	vsel vm1, v6, v10;
	v39 =	vsub.f32 v49, v39;
	v37 =	vmul.f32 v37, v34;
	[tilespmem:s8+$0x9010] =	vst v16  }
0x1e7: {  	v41 =	vsel vm0, v6, v10;
	v24 =	vmul.f32 v24, v24;
	v17 =	vmul.f32 v17, v17;
	[tilespmem:s8+$0x8020] =	vst v29  }
0x1e8: {  	v23 =	vmul.f32 v23, v23;
	v16 =	vmul.f32 v16, v16;
	v37 =	vsub.f32 $1.500000000e+00, v37;
	[tilespmem:s8+$0x9020] =	vst v14  }
0x1e9: {  	v18 =	vsub.f32 v22, v18;
	v22 =	vmul.f32 v29, v29;
	v14 =	vmul.f32 v14, v14;
	[tilespmem:s8+$0x8030] =	vst v13  }
0x1ea: {  	v29 =	vsub.f32 v31, v43;
	v13 =	vmul.f32 v13, v13;
	v31 =	vmul.f32 v37, v34;
	[tilespmem:s8+$0x9030] =	vst v15  }
0x1eb: {  	v30 =	vsub.f32 v30, v47;
	v34 =	vmul.f32 v12, v12;
	v15 =	vmul.f32 v15, v15;
	[tilespmem:s8+$0xA000] =	vst v18  }
0x1ec: {  	v27 =	vsub.f32 v36, v27;
	v36 =	vmul.f32 v25, v25;
	v31 =	vmul.f32 v31, v19;
	[tilespmem:s8+$0xA010] =	vst v29  }
0x1ed: {  	v42 =	vmul.f32 v33, v33;
	v37 =	vsub.f32 v38, v50;
	v38 =	vmul.f32 v28, v28;
	[tilespmem:s8+$0xA020] =	vst v30  }
0x1ee: {  	v32 =	vsub.f32 v40, v32;
	v40 =	vmul.f32 v35, v35;
	v43 =	vmul.f32 v39, v39;
	[tilespmem:s8+$0xB070] =	vst v31  }
0x1ef: {  	v17 =	vadd.f32 v17, v24;
	v24 =	vsub.f32 v41, v26;
	v18 =	vmul.f32 v18, v18;
	[tilespmem:s8+$0xA030] =	vst v27  }
0x1f0: {  	v16 =	vadd.f32 v16, v23;
	v23 =	vmul.f32 v29, v29;
	v14 =	vadd.f32 v14, v22;
	[tilespmem:s8+$0x8040] =	vst v12  }
0x1f1: {  	v22 =	vadd.f32 v36, v34;
	v13 =	vadd.f32 v15, v13;
	v12 =	vmul.f32 v30, v30;
	[tilespmem:s8+$0x9040] =	vst v25  }
0x1f2: {  	v26 =	vadd.f32 v43, v40;
	v15 =	vmul.f32 v27, v27;
	v25 =	vadd.f32 v42, v38;
	[tilespmem:s8+$0xA040] =	vst v37  }
0x1f3: {  	v29 =	vmul.f32 v32, v32;
	v18 =	vadd.f32 v18, v17;
	v27 =	vmul.f32 v37, v37;
	[tilespmem:s8+$0x8050] =	vst v28  }
0x1f4: {  	v17 =	vadd.f32 v23, v16;
	v16 =	vadd.f32 v12, v14;
	v12 =	vmul.f32 v24, v24;
	[tilespmem:s8+$0x9050] =	vst v33  }
0x1f5: {  	v15 =	vadd.f32 v15, v13;
	v23 =	vshra.s32 v18, $0x1;
	v14 =	vadd.f32 v27, v22;
	[tilespmem:s8+$0xA050] =	vst v32  }
0x1f6: {  	v22 =	vmul.f32 $5.000000000e-01, v18;
	v13 =	vadd.f32 v29, v25;
	v12 =	vadd.f32 v12, v26;
	[tilespmem:s8+$0x8060] =	vst v35  }
0x1f7: {  	v25 =	vshra.s32 v17, $0x1;
	v29 =	vmul.f32 $5.000000000e-01, v17;
	v26 =	vshra.s32 v16, $0x1;
	[tilespmem:s8+$0x9060] =	vst v39  }
0x1f8: {  	v31 =	vmul.f32 $5.000000000e-01, v15;
	v27 =	vshra.s32 v15, $0x1;
	v30 =	vmul.f32 $5.000000000e-01, v16;
	[tilespmem:s8+$0xA060] =	vst v24  }
0x1f9: {  	v32 =	vmul.f32 $5.000000000e-01, v14;
	v28 =	vshra.s32 v13, $0x1;
	v24 =	vshra.s32 v14, $0x1;
	[tilespmem:s8+$0x9070] =	vst v20  }
0x1fa: {  	v33 =	vshra.s32 v12, $0x1;
	v34 =	vmul.f32 $5.000000000e-01, v12;
	v20 =	vmul.f32 $5.000000000e-01, v13;
	[tilespmem:s8+$0xA070] =	vst v21  }
0x1fb: {  	v21 =	vsub.s32 $0x5F3759DF, v23;
	v23 =	vsub.s32 $0x5F3759DF, v25;
	v25 =	vsub.s32 $0x5F3759DF, v26  }
0x1fc: {  	v35 =	vsub.s32 $0x5F3759DF, v28;
	v24 =	vsub.s32 $0x5F3759DF, v24;
	v26 =	vsub.s32 $0x5F3759DF, v27  }
0x1fd: {  	v33 =	vsub.s32 $0x5F3759DF, v33;
	v27 =	vmul.f32 v21, v22;
	v28 =	vmul.f32 v23, v29  }
0x1fe: {  	vm7 =	vle.f32 v18, $1.600000110e-01;
	v36 =	vmul.f32 v25, v30;
	v37 =	vmul.f32 v26, v31  }
0x1ff: {  	vm5 =	vle.f32 v17, $1.600000110e-01;
	v38 =	vmul.f32 v24, v32;
	v39 =	vmul.f32 v35, v20  }
0x200: {  	vm6 =	vle.f32 v16, $1.600000110e-01;
	v40 =	vmul.f32 v33, v34;
	v27 =	vmul.f32 v21, v27  }
0x201: {  	vm0 =	vle.f32 v15, $1.600000110e-01;
	v28 =	vmul.f32 v23, v28;
	v36 =	vmul.f32 v25, v36  }
0x202: {  	v38 =	vmul.f32 v24, v38;
	v37 =	vmul.f32 v26, v37;
	v27 =	vsub.f32 $1.500000000e+00, v27  }
0x203: {  	v40 =	vmul.f32 v33, v40;
	v39 =	vmul.f32 v35, v39;
	v28 =	vsub.f32 $1.500000000e+00, v28  }
0x204: {  	v21 =	vmul.f32 v21, v27;
	v27 =	vsub.f32 $1.500000000e+00, v36;
	v36 =	vsub.f32 $1.500000000e+00, v37  }
0x205: {  	v23 =	vmul.f32 v23, v28;
	v37 =	vsub.f32 $1.500000000e+00, v38;
	v38 =	vsub.f32 $1.500000000e+00, v39  }
0x206: {  	v28 =	vmul.f32 v25, v27;
	v27 =	vmul.f32 v26, v36;
	v36 =	vsub.f32 $1.500000000e+00, v40  }
0x207: {  	vm4 =	vle.f32 v14, $1.600000110e-01;
	v26 =	vmul.f32 v24, v37;
	v25 =	vmul.f32 v35, v38  }
0x208: {  	vm3 =	vle.f32 v13, $1.600000110e-01;
	v22 =	vmul.f32 v21, v22;
	v24 =	vmul.f32 v33, v36  }
0x209: {  	vm1 =	vle.f32 v12, $1.600000110e-01;
	v29 =	vmul.f32 v23, v29;
	v30 =	vmul.f32 v28, v30  }
0x20a: {  	vm2 =	vle.f32 v19, $1.600000110e-01;
	v31 =	vmul.f32 v27, v31;
	v32 =	vmul.f32 v26, v32  }
0x20b: {  	v19 =	vsel vm7, $0x1, v1;
	v20 =	vmul.f32 v25, v20;
	v33 =	vmul.f32 v24, v34  }
0x20c: {  	v22 =	vmul.f32 v22, v21;
	[tilespmem:s8+$0xC000] =	vst v19;
	v19 =	vmul.f32 v29, v23;
	v29 =	vsel vm5, $0x1, v1  }
.Ltmp2:
0x20d: {  	v31 =	vmul.f32 v31, v27;
	[tilespmem:s8+$0xC010] =	vst v29;
	v29 =	vmul.f32 v30, v28;
	v30 =	vsel vm6, $0x1, v1;
	(pc) =	sbr.rel @p0 .LBB2_7-.Ltmp2, $4  }
0x20e: {  	v22 =	vsub.f32 $1.500000000e+00, v22;
	v32 =	vmul.f32 v32, v26;
	v34 =	vmul.f32 v20, v25;
	[tilespmem:s8+$0xC020] =	vst v30  }
0x20f: {  	v33 =	vmul.f32 v33, v24;
	v19 =	vsub.f32 $1.500000000e+00, v19;
	v29 =	vsub.f32 $1.500000000e+00, v29  }
0x210: {  	v20 =	vmul.f32 v22, v21;
	v22 =	vsub.f32 $1.500000000e+00, v32;
	v30 =	vsub.f32 $1.500000000e+00, v31  }
0x211: {  	s30 =	sadd.s32 $0x200, s30;
	v21 =	vmul.f32 v19, v23;
	v23 =	vsub.f32 $1.500000000e+00, v34;
	v19 =	vsub.f32 $1.500000000e+00, v33  }
0x212: {  	v2 =	vsel vm0, $0x1, v1  }
0x213: {  	v4 =	vmul.f32 v20, v18;
	[tilespmem:s8+$0xC030] =	vst v2;
	v2 =	vsel vm4, $0x1, v1  }
0x214: {  	v3 =	vmul.f32 v29, v28;
	[tilespmem:s8+$0xC040] =	vst v2  }
0x215: {  	v5 =	vmul.f32 v30, v27;
	v6 =	vmul.f32 v21, v17;
	v2 =	vsel vm3, $0x1, v1;
	[tilespmem:s8+$0xB000] =	vst v4  }
0x216: {  	v3 =	vmul.f32 v3, v16;
	v4 =	vmul.f32 v23, v25;
	[tilespmem:s8+$0xC050] =	vst v2  }
0x217: {  	v5 =	vmul.f32 v5, v15;
	v2 =	vmul.f32 v22, v26;
	[tilespmem:s8+$0xB010] =	vst v6  }
0x218: {  	v6 =	vmul.f32 v19, v24;
	[tilespmem:s8+$0xB020] =	vst v3;
	v3 =	vmul.f32 v4, v13  }
0x219: {  	[tilespmem:s8+$0xB030] =	vst v5;
	v2 =	vmul.f32 v2, v14  }
0x21a: {  	v4 =	vmul.f32 v6, v12;
	v6 =	vmov s16;
	[tilespmem:s8+$0xB050] =	vst v3  }
0x21b: {  	[tilespmem:s8+$0xB040] =	vst v2  }
0x21c: {  	v3 =	vsel vm2, $0x1, v1;
	[tilespmem:s8+$0xB060] =	vst v4  }
0x21d: {  	v10 =	vadd.s32 $0x1, v6;
	v2 =	vsel vm1, $0x1, v1;
	[tilespmem:s8+$0xC070] =	vst v3  }
0x21e: {  	s0 =	simm.s32 $0x0;
	[tilespmem:s8+$0xC060] =	vst v2  }
0x21f: {  	s13 =	sadd.s32 $0x1042, s6;
	v2 =	vld.idx.msk [tilespmem:v6+s0+$0x0], $0xffff  }
0x220: {  	s31 =	sadd.s32 $0x42, s6;
	v5 =	vmov s13;
	v4 =	vld.idx.msk [tilespmem:v6+s17+$0x0], $0xffff  }
0x221: {  	v3 =	vmov s31;
	v6 =	vld.idx.msk [tilespmem:v6+s18+$0x0], $0xffff  }
0x222: {  	s13 =	sadd.s32 $0x2042, s6;
	v7 =	vld.idx.msk [tilespmem:v10+s0+$0x0], $0xffff  }
0x223: {  	s22 =	simm.s32 $0x0;
	v8 =	vmov s13;
	s16 =	ssub.s32 $0x7FE, s5;
	v9 =	vld.idx.msk [tilespmem:v10+s17+$0x0], $0xffff  }
0x224: {  	s19 =	simm.s32 $0x10;
	s20 =	simm.s32 $0x20;
	v21 =	vor.u32 s22, v0;
	s6 =	simm.s32 $0x0;
	v11 =	vmov s16;
	v10 =	vld.idx.msk [tilespmem:v10+s18+$0x0], $0xffff  }
0x225: {  	v17 =	vor.u32 s20, v0;
	v16 =	vor.u32 s19, v0;
	vm6 =	vlt.u32 v21, v11;
	s8 =	simm.s32 $0x70;
	v13 =	vld.idx.msk [tilespmem:v5+s6+$0x30 ss:$0x1], $0xffff  }
0x226: {  	s21 =	simm.s32 $0x30;
	s31 =	simm.s32 $0x60;
	vm5 =	vlt.u32 v16, v11;
	vm4 =	vlt.u32 v17, v11;
	v15 =	vor.u32 s8, v0;
	v12 =	vld.idx.msk [tilespmem:v3+s6+$0x30 ss:$0x1], $0xffff  }
0x227: {  	v16 =	vor.u32 s31, v0;
	v24 =	vld.idx.msk [tilespmem:v5+s6+$0xFFFFFFC0 ss:$0x1], $0xffff;
	vm0 =	vlt.u32 v15, v11;
	v15 =	vor.u32 s21, v0  }
0x228: {  	v14 =	vld.idx.msk [tilespmem:v8+s6+$0x30 ss:$0x1], $0xffff;
	vm3 =	vlt.u32 v15, v11;
	v18 =	vsel vm0, v2, v7;
	v19 =	vsel vm0, v4, v9  }
0x229: {  	v22 =	vld.idx.msk [tilespmem:v3+s6+$0xFFFFFFC0 ss:$0x1], $0xffff;
	v20 =	vsel vm0, v6, v10;
	v15 =	vsel vm6, v2, v7;
	vm0 =	vlt.u32 v16, v11  }
0x22a: {  	v26 =	vld.idx.msk [tilespmem:v3+s6+$0xFFFFFFF0 ss:$0x1], $0xffff;
	v16 =	vsel vm6, v4, v9;
	v27 =	vsel vm4, v2, v7;
	v31 =	vsel vm4, v4, v9  }
0x22b: {  	s23 =	simm.s32 $0x40;
	s30 =	simm.s32 $0x50;
	v32 =	vsel vm3, v2, v7;
	v34 =	vsel vm3, v4, v9;
	v12 =	vsub.f32 v18, v12  }
0x22c: {  	v30 =	vld.idx.msk [tilespmem:v5+s6+$0xFFFFFFF0 ss:$0x1], $0xffff;
	v19 =	vsub.f32 v19, v13;
	v13 =	vor.u32 s23, v0;
	v18 =	vor.u32 s30, v0  }
0x22d: {  	v52 =	vld.idx.msk [tilespmem:v8+s6+$0xFFFFFFC0 ss:$0x1], $0xffff;
	v20 =	vsub.f32 v20, v14;
	v42 =	vsel vm0, v2, v7;
	v43 =	vsel vm0, v4, v9  }
0x22e: {  	v37 =	vld.idx.msk [tilespmem:v5+s6+$0x0 ss:$0x1], $0xffff;
	v45 =	vsub.f32 v15, v22;
	v24 =	vsub.f32 v16, v24;
	v15 =	vsel vm6, v6, v10  }
0x22f: {  	v44 =	vld.idx.msk [tilespmem:v5+s6+$0x10 ss:$0x1], $0xffff;
	v26 =	vsub.f32 v32, v26;
	v14 =	vmul.f32 v12, v12;
	v23 =	vmul.f32 v19, v19  }
0x230: {  	v51 =	vld.idx.msk [tilespmem:v5+s6+$0x20 ss:$0x1], $0xffff;
	v59 =	vsel vm0, v6, v10;
	vm2 =	vlt.u32 v13, v11;
	vm1 =	vlt.u32 v18, v11  }
0x231: {  	v13 =	vld.idx.msk [tilespmem:v3+s6+$0xFFFFFFE0 ss:$0x1], $0xffff;
	v18 =	vsel vm5, v4, v9;
	v17 =	vmul.f32 v20, v20;
	v14 =	vadd.f32 v23, v14  }
0x232: {  	v25 =	vld.idx.msk [tilespmem:v3+s6+$0xFFFFFFD0 ss:$0x1], $0xffff;
	v32 =	vsub.f32 v15, v52;
	v35 =	vsel vm2, v2, v7;
	v38 =	vsel vm2, v4, v9  }
0x233: {  	v39 =	vsel vm1, v2, v7;
	v40 =	vsel vm1, v4, v9;
	v23 =	vld.idx.msk [tilespmem:v5+s6+$0xFFFFFFD0 ss:$0x1], $0xffff;
	v21 =	vadd.f32 v17, v14  }
0x234: {  	v54 =	vsel vm2, v6, v10;
	v55 =	vsel vm1, v6, v10;
	v57 =	vmul.f32 v45, v45;
	v14 =	vld.idx.msk [tilespmem:v5+s6+$0xFFFFFFE0 ss:$0x1], $0xffff  }
0x235: {  	v16 =	vld.idx.msk [tilespmem:v3+s6+$0x20 ss:$0x1], $0xffff;
	v58 =	vmul.f32 v24, v24;
	v28 =	vshra.s32 v21, $0x1;
	v29 =	vmul.f32 $5.000000000e-01, v21  }
0x236: {  	v50 =	vld.idx.msk [tilespmem:v8+s6+$0x20 ss:$0x1], $0xffff;
	v17 =	vsel vm5, v2, v7;
	v27 =	vsub.f32 v27, v13;
	v28 =	vsub.s32 $0x5F3759DF, v28  }
0x237: {  	v56 =	vld.idx.msk [tilespmem:v8+s6+$0xFFFFFFF0 ss:$0x1], $0xffff;
	v13 =	vsel vm4, v6, v10;
	v25 =	vsub.f32 v17, v25;
	v36 =	vmul.f32 v28, v29  }
0x238: {  	v53 =	vld.idx.msk [tilespmem:v8+s6+$0xFFFFFFD0 ss:$0x1], $0xffff;
	v17 =	vsel vm5, v6, v10;
	v15 =	vmul.f32 v27, v27;
	vm2 =	vle.f32 v21, $1.600000110e-01  }
0x239: {  	v33 =	vld.idx.msk [tilespmem:v3+s6+$0x0 ss:$0x1], $0xffff;
	v46 =	vsub.f32 v18, v23;
	v31 =	vsub.f32 v31, v14;
	v36 =	vmul.f32 v28, v36  }
0x23a: {  	v41 =	vld.idx.msk [tilespmem:v3+s6+$0x10 ss:$0x1], $0xffff;
	v18 =	vsel vm3, v6, v10;
	v23 =	vsub.f32 v42, v16;
	v61 =	vmul.f32 v25, v25  }
0x23b: {  	v60 =	vld.idx.msk [tilespmem:v8+s6+$0x0 ss:$0x1], $0xffff;
	v42 =	vsub.f32 v59, v50;
	v49 =	vmul.f32 v31, v31;
	v22 =	vsub.f32 $1.500000000e+00, v36  }
0x23c: {  	v48 =	vld.idx.msk [tilespmem:v8+s6+$0x10 ss:$0x1], $0xffff;
	v47 =	vmul.f32 v46, v46;
	v63 =	vmul.f32 v23, v23;
	v36 =	vsub.f32 v18, v56  }
0x23d: {  	v15 =	vadd.f32 v49, v15;
	v14 =	vmul.f32 v28, v22;
	v28 =	vsub.f32 v34, v30  }
0x23e: {  	v56 =	vmul.f32 v32, v32;
	v30 =	vsub.f32 v35, v33;
	v33 =	vsub.f32 v38, v37  }
0x23f: {  	v34 =	vsub.f32 v39, v41;
	v38 =	vsub.f32 v40, v44;
	v29 =	vmul.f32 v14, v29  }
0x240: {  	v22 =	vsub.f32 v43, v51;
	v35 =	vsub.f32 v17, v53;
	v17 =	vmul.f32 v26, v26  }
0x241: {  	v16 =	vld.idx.msk [tilespmem:v8+s6+$0xFFFFFFE0 ss:$0x1], $0xffff;
	v37 =	vsub.f32 v54, v60;
	v39 =	vsub.f32 v55, v48;
	v29 =	vmul.f32 v29, v14  }
0x242: {  	v44 =	vadd.f32 v47, v61;
	v53 =	vmul.f32 v36, v36;
	v61 =	vmul.f32 v42, v42  }
0x243: {  	v18 =	vmul.f32 v33, v33;
	v52 =	vmul.f32 v22, v22;
	v29 =	vsub.f32 $1.500000000e+00, v29  }
0x244: {  	v40 =	vadd.f32 v58, v57;
	v62 =	vmul.f32 v38, v38;
	v57 =	vmul.f32 v35, v35  }
0x245: {  	v60 =	vmul.f32 v39, v39;
	v48 =	vadd.f32 v52, v63;
	v14 =	vmul.f32 v29, v14  }
0x246: {  	v29 =	vsub.f32 v13, v16;
	v13 =	vmul.f32 v28, v28;
	v16 =	vmul.f32 v30, v30  }
0x247: {  	[tilespmem:s6+$0x8870] =	vst v12;
	v12 =	vadd.f32 v61, v48;
	v51 =	vmul.f32 v14, v21;
	v14 =	vmul.f32 v34, v34  }
0x248: {  	v58 =	vmul.f32 v29, v29;
	v13 =	vadd.f32 v13, v17;
	v59 =	vadd.f32 v18, v16  }
0x249: {  	vm1 =	vle.f32 v12, $1.600000110e-01;
	v18 =	vadd.f32 v56, v40;
	v17 =	vadd.f32 v57, v44  }
0x24a: {  	v43 =	vadd.f32 v62, v14;
	v14 =	vmul.f32 v37, v37;
	v16 =	vadd.f32 v58, v15  }
0x24b: {  	v62 =	vshra.s32 v18, $0x1;
	v15 =	vadd.f32 v53, v13;
	v47 =	vmul.f32 $5.000000000e-01, v18  }
0x24c: {  	[tilespmem:s6+$0x8800] =	vst v45;
	v63 =	vshra.s32 v17, $0x1;
	v41 =	vmul.f32 $5.000000000e-01, v17;
	v58 =	vshra.s32 v12, $0x1  }
0x24d: {  	[tilespmem:s6+$0x8820] =	vst v27;
	v53 =	vmul.f32 $5.000000000e-01, v12;
	vm6 =	vle.f32 v18, $1.600000110e-01;
	v27 =	vsub.s32 $0x5F3759DF, v62  }
0x24e: {  	[tilespmem:s6+$0x9800] =	vst v24;
	v40 =	vsub.s32 $0x5F3759DF, v63;
	v14 =	vadd.f32 v14, v59;
	v13 =	vadd.f32 v60, v43  }
0x24f: {  	[tilespmem:s6+$0x8830] =	vst v26;
	v56 =	vshra.s32 v16, $0x1;
	v45 =	vmul.f32 $5.000000000e-01, v16;
	v24 =	vshra.s32 v15, $0x1  }
0x250: {  	[tilespmem:s6+$0x8810] =	vst v25;
	v48 =	vmul.f32 $5.000000000e-01, v15;
	v26 =	vmul.f32 v27, v47;
	v60 =	vsub.s32 $0x5F3759DF, v58  }
0x251: {  	[tilespmem:s6+$0x9810] =	vst v46;
	v59 =	vmul.f32 v40, v41;
	v43 =	vsub.s32 $0x5F3759DF, v56;
	v63 =	vmul.f32 v60, v53  }
0x252: {  	[tilespmem:s6+$0x9820] =	vst v31;
	v24 =	vsub.s32 $0x5F3759DF, v24;
	v49 =	vmul.f32 $5.000000000e-01, v14;
	v46 =	vmul.f32 $5.000000000e-01, v13  }
0x253: {  	[tilespmem:s6+$0x9830] =	vst v28;
	v25 =	vshra.s32 v14, $0x1;
	v28 =	vmul.f32 v43, v45;
	v61 =	vmul.f32 v24, v48  }
0x254: {  	[tilespmem:s6+$0xA820] =	vst v29;
	v57 =	vshra.s32 v13, $0x1;
	v26 =	vmul.f32 v27, v26;
	v29 =	vmul.f32 v40, v59  }
0x255: {  	[tilespmem:s6+$0xA810] =	vst v35;
	v25 =	vsub.s32 $0x5F3759DF, v25;
	v31 =	vsub.s32 $0x5F3759DF, v57;
	v35 =	vmul.f32 v60, v63  }
0x256: {  	[tilespmem:s6+$0x9870] =	vst v19;
	vm5 =	vle.f32 v17, $1.600000110e-01;
	v62 =	vmul.f32 v25, v49;
	v54 =	vmul.f32 v31, v46  }
0x257: {  	[tilespmem:s6+$0xA870] =	vst v20;
	v28 =	vmul.f32 v43, v28;
	v26 =	vsub.f32 $1.500000000e+00, v26;
	v52 =	vmul.f32 v24, v61  }
0x258: {  	[tilespmem:s6+$0xA800] =	vst v32;
	v29 =	vsub.f32 $1.500000000e+00, v29;
	v32 =	vmul.f32 v25, v62;
	v55 =	vmul.f32 v31, v54  }
0x259: {  	[tilespmem:s6+$0x8840] =	vst v30;
	v30 =	vmul.f32 v27, v26;
	v26 =	vsub.f32 $1.500000000e+00, v28;
	v27 =	vsub.f32 $1.500000000e+00, v52  }
0x25a: {  	[tilespmem:s6+$0x8860] =	vst v23;
	v56 =	vmul.f32 v40, v29;
	v29 =	vsub.f32 $1.500000000e+00, v32;
	v57 =	vsub.f32 $1.500000000e+00, v55  }
0x25b: {  	[tilespmem:s6+$0xA860] =	vst v42;
	v28 =	vmul.f32 v43, v26;
	v27 =	vmul.f32 v24, v27;
	v24 =	vsub.f32 $1.500000000e+00, v35  }
0x25c: {  	[tilespmem:s6+$0xA830] =	vst v36;
	v21 =	vsel vm6, $0x1, v1;
	v26 =	vmul.f32 v25, v29;
	v25 =	vmul.f32 v31, v57  }
0x25d: {  	[tilespmem:s6+$0x9840] =	vst v33;
	vm7 =	vle.f32 v16, $1.600000110e-01;
	v29 =	vmul.f32 v30, v47;
	v24 =	vmul.f32 v60, v24  }
0x25e: {  	[tilespmem:s6+$0xA840] =	vst v37;
	vm0 =	vle.f32 v15, $1.600000110e-01;
	v31 =	vmul.f32 v56, v41;
	v58 =	vmul.f32 v28, v45  }
0x25f: {  	[tilespmem:s6+$0x8850] =	vst v34;
	vm4 =	vle.f32 v14, $1.600000110e-01;
	v23 =	vmul.f32 v27, v48;
	v59 =	vmul.f32 v26, v49  }
0x260: {  	[tilespmem:s6+$0x9860] =	vst v22;
	vm3 =	vle.f32 v13, $1.600000110e-01;
	v22 =	vmul.f32 v25, v46;
	v60 =	vmul.f32 v24, v53  }
0x261: {  	[tilespmem:s6+$0x9850] =	vst v38;
	v61 =	vsel vm5, $0x1, v1;
	v29 =	vmul.f32 v29, v30;
	v31 =	vmul.f32 v31, v56  }
0x262: {  	[tilespmem:s6+$0xA850] =	vst v39;
	v62 =	vsel vm7, $0x1, v1;
	v19 =	vmul.f32 v58, v28;
	v23 =	vmul.f32 v23, v27  }
0x263: {  	[tilespmem:s6+$0xB870] =	vst v51;
	v20 =	vsub.f32 $1.500000000e+00, v29;
	v34 =	vmul.f32 v59, v26;
	v63 =	vmul.f32 v22, v25  }
0x264: {  	[tilespmem:s6+$0xC800] =	vst v21;
	v31 =	vsub.f32 $1.500000000e+00, v31;
	v29 =	vsub.f32 $1.500000000e+00, v19;
	v19 =	vmul.f32 v60, v24  }
0x265: {  	[tilespmem:s6+$0xC810] =	vst v61;
	v21 =	vmul.f32 v20, v30;
	v30 =	vsub.f32 $1.500000000e+00, v23;
	v22 =	vsub.f32 $1.500000000e+00, v34  }
0x266: {  	s13 =	simm.s32 $0x200;
	s0 =	simm.s32 $0x0;
	[tilespmem:s6+$0xC820] =	vst v62;
	v20 =	vmul.f32 v31, v56;
	v23 =	vsub.f32 $1.500000000e+00, v63;
	v19 =	vsub.f32 $1.500000000e+00, v19  }
.LBB2_9:
0x267: {  	s16 =	sshra.s32 s13, $0x2;
	v28 =	vmul.f32 v29, v28;
	v27 =	vmul.f32 v30, v27;
	v29 =	vsel vm0, $0x1, v1  }
0x268: {  	s0 =	sadd.s32 $0x8, s0;
	v22 =	vmul.f32 v22, v26;
	v26 =	vsel vm4, $0x1, v1;
	v30 =	vld.idx.msk [tilespmem:v3+s16+$0x30 ss:$0x1], $0xffff;
	[tilespmem:s6+$0xC830] =	vst v29;
	v23 =	vmul.f32 v23, v25  }
0x269: {  	v18 =	vmul.f32 v21, v18;
	v21 =	vsel vm3, $0x1, v1;
	p0 =	slt.u32 s0, $0x78;
	v19 =	vmul.f32 v19, v24;
	v25 =	vld.idx.msk [tilespmem:v5+s16+$0x30 ss:$0x1], $0xffff;
	[tilespmem:s6+$0xC840] =	vst v26  }
0x26a: {  	v17 =	vmul.f32 v20, v17;
	v16 =	vmul.f32 v28, v16;
	v26 =	vsel vm1, $0x1, v1;
	v24 =	vld.idx.msk [tilespmem:v3+s16+$0xFFFFFFC0 ss:$0x1], $0xffff;
	[tilespmem:s6+$0xC850] =	vst v21  }
0x26b: {  	s8 =	sadd.s32 $0x80, s8;
	v15 =	vmul.f32 v27, v15;
	v14 =	vmul.f32 v22, v14;
	v21 =	vld.idx.msk [tilespmem:v8+s16+$0x30 ss:$0x1], $0xffff;
	[tilespmem:s6+$0xB800] =	vst v18;
	v18 =	vsel vm2, $0x1, v1  }
0x26c: {  	s19 =	sadd.s32 $0xFFFFFFA0, s8;
	s20 =	sadd.s32 $0xFFFFFFB0, s8;
	s21 =	sadd.s32 $0xFFFFFFC0, s8;
	v20 =	vor.u32 s8, v0;
	v13 =	vmul.f32 v23, v13;
	v12 =	vmul.f32 v19, v12;
	v22 =	vld.idx.msk [tilespmem:v5+s16+$0xFFFFFFC0 ss:$0x1], $0xffff;
	[tilespmem:s6+$0xB810] =	vst v17  }
0x26d: {  	s22 =	sadd.s32 $0xFFFFFFF0, s8;
	vm0 =	vlt.u32 v20, v11;
	v19 =	vor.u32 s20, v0;
	s20 =	sadd.s32 $0xFFFFFFE0, s8;
	v17 =	vor.u32 s19, v0;
	s19 =	sadd.s32 $0xFFFFFFD0, s8;
	v23 =	vld.idx.msk [tilespmem:v3+s16+$0xFFFFFFD0 ss:$0x1], $0xffff;
	[tilespmem:s6+$0xB820] =	vst v16  }
0x26e: {  	s23 =	sadd.s32 $0xFFFFFF90, s8;
	v27 =	vor.u32 s21, v0;
	v20 =	vsel vm0, v2, v7;
	v28 =	vsel vm0, v4, v9;
	v16 =	vld.idx.msk [tilespmem:v5+s16+$0xFFFFFFD0 ss:$0x1], $0xffff;
	[tilespmem:s6+$0xB830] =	vst v15  }
0x26f: {  	v30 =	vsub.f32 v20, v30;
	v15 =	vor.u32 s23, v0;
	v20 =	vsub.f32 v28, v25;
	v29 =	vld.idx.msk [tilespmem:v3+s16+$0xFFFFFFE0 ss:$0x1], $0xffff;
	[tilespmem:s6+$0xB840] =	vst v14  }
0x270: {  	v31 =	vsel vm0, v6, v10;
	v25 =	vor.u32 s19, v0;
	v28 =	vor.u32 s20, v0;
	v14 =	vld.idx.msk [tilespmem:v5+s16+$0xFFFFFFE0 ss:$0x1], $0xffff;
	[tilespmem:s6+$0xB850] =	vst v13  }
0x271: {  	v21 =	vsub.f32 v31, v21;
	v31 =	vmul.f32 v30, v30;
	v32 =	vmul.f32 v20, v20;
	v13 =	vld.idx.msk [tilespmem:v3+s16+$0xFFFFFFF0 ss:$0x1], $0xffff  }
0x272: {  	vm5 =	vlt.u32 v17, v11;
	v17 =	vor.u32 s22, v0;
	vm6 =	vlt.u32 v15, v11;
	v15 =	vld.idx.msk [tilespmem:v5+s16+$0xFFFFFFF0 ss:$0x1], $0xffff;
	[tilespmem:s6+$0xB860] =	vst v12  }
0x273: {  	vm4 =	vlt.u32 v19, v11;
	v19 =	vadd.f32 v32, v31;
	v31 =	vmul.f32 v21, v21;
	v12 =	vld.idx.msk [tilespmem:v3+s16+$0x0 ss:$0x1], $0xffff  }
0x274: {  	vm3 =	vlt.u32 v27, v11;
	vm2 =	vlt.u32 v25, v11;
	vm1 =	vlt.u32 v28, v11;
	v25 =	vld.idx.msk [tilespmem:v5+s16+$0x0 ss:$0x1], $0xffff  }
0x275: {  	vm0 =	vlt.u32 v17, v11;
	v27 =	vsel vm6, v2, v7;
	v19 =	vadd.f32 v31, v19;
	v28 =	vld.idx.msk [tilespmem:v3+s16+$0x10 ss:$0x1], $0xffff  }
0x276: {  	v17 =	vsel vm6, v4, v9;
	v32 =	vsel vm5, v4, v9;
	v31 =	vsel vm5, v2, v7;
	v33 =	vld.idx.msk [tilespmem:v5+s16+$0x10 ss:$0x1], $0xffff  }
0x277: {  	v34 =	vsel vm4, v2, v7;
	v36 =	vshra.s32 v19, $0x1;
	v37 =	vmul.f32 $5.000000000e-01, v19;
	v35 =	vld.idx.msk [tilespmem:v3+s16+$0x20 ss:$0x1], $0xffff;
	[tilespmem:s6+$0xC860] =	vst v26  }
0x278: {  	v38 =	vsel vm3, v2, v7;
	v26 =	vsel vm4, v4, v9;
	v36 =	vsub.s32 $0x5F3759DF, v36;
	v39 =	vld.idx.msk [tilespmem:v5+s16+$0x20 ss:$0x1], $0xffff;
	[tilespmem:s6+$0xC870] =	vst v18;
	s6 =	smov.u32 s16  }
0x279: {  	v40 =	vsel vm3, v4, v9;
	v41 =	vsel vm2, v2, v7;
	v42 =	vmul.f32 v36, v37;
	v18 =	vld.idx.msk [tilespmem:v8+s6+$0xFFFFFFC0 ss:$0x1], $0xffff  }
0x27a: {  	v44 =	vsel vm2, v4, v9;
	v45 =	vsel vm1, v2, v7;
	v46 =	vsel vm1, v4, v9;
	v43 =	vld.idx.msk [tilespmem:v8+s6+$0xFFFFFFD0 ss:$0x1], $0xffff  }
0x27b: {  	v48 =	vsel vm0, v2, v7;
	v49 =	vsel vm0, v4, v9;
	v42 =	vmul.f32 v36, v42;
	v47 =	vld.idx.msk [tilespmem:v8+s6+$0xFFFFFFE0 ss:$0x1], $0xffff  }
0x27c: {  	v24 =	vsub.f32 v27, v24;
	v17 =	vsub.f32 v17, v22;
	v22 =	vsel vm6, v6, v10;
	v27 =	vld.idx.msk [tilespmem:v8+s6+$0xFFFFFFF0 ss:$0x1], $0xffff  }
0x27d: {  	v23 =	vsub.f32 v31, v23;
	v31 =	vsel vm5, v6, v10;
	v42 =	vsub.f32 $1.500000000e+00, v42;
	v50 =	vld.idx.msk [tilespmem:v8+s6+$0x0 ss:$0x1], $0xffff;
	[tilespmem:s6+$0x8870] =	vst v30  }
0x27e: {  	v16 =	vsub.f32 v32, v16;
	v29 =	vsub.f32 v34, v29;
	v30 =	vsel vm4, v6, v10;
	v32 =	vld.idx.msk [tilespmem:v8+s6+$0x10 ss:$0x1], $0xffff  }
0x27f: {  	v13 =	vsub.f32 v38, v13;
	v14 =	vsub.f32 v26, v14;
	v34 =	vmul.f32 v36, v42;
	v26 =	vld.idx.msk [tilespmem:v8+s6+$0x20 ss:$0x1], $0xffff  }
0x280: {  	v15 =	vsub.f32 v40, v15;
	v12 =	vsub.f32 v41, v12;
	v36 =	vsel vm3, v6, v10;
	[tilespmem:s6+$0x8800] =	vst v24  }
0x281: {  	v25 =	vsub.f32 v44, v25;
	v28 =	vsub.f32 v45, v28;
	v37 =	vmul.f32 v34, v37;
	[tilespmem:s6+$0x9800] =	vst v17  }
0x282: {  	v38 =	vsel vm2, v6, v10;
	v33 =	vsub.f32 v46, v33;
	v35 =	vsub.f32 v48, v35;
	[tilespmem:s6+$0x8810] =	vst v23  }
0x283: {  	v40 =	vsel vm1, v6, v10;
	v39 =	vsub.f32 v49, v39;
	v37 =	vmul.f32 v37, v34;
	[tilespmem:s6+$0x9810] =	vst v16  }
0x284: {  	v41 =	vsel vm0, v6, v10;
	v24 =	vmul.f32 v24, v24;
	v17 =	vmul.f32 v17, v17;
	[tilespmem:s6+$0x8820] =	vst v29  }
0x285: {  	v23 =	vmul.f32 v23, v23;
	v16 =	vmul.f32 v16, v16;
	v37 =	vsub.f32 $1.500000000e+00, v37;
	[tilespmem:s6+$0x9820] =	vst v14  }
0x286: {  	v18 =	vsub.f32 v22, v18;
	v22 =	vmul.f32 v29, v29;
	v14 =	vmul.f32 v14, v14;
	[tilespmem:s6+$0x8830] =	vst v13  }
0x287: {  	v29 =	vsub.f32 v31, v43;
	v13 =	vmul.f32 v13, v13;
	v31 =	vmul.f32 v37, v34;
	[tilespmem:s6+$0x9830] =	vst v15  }
0x288: {  	v30 =	vsub.f32 v30, v47;
	v34 =	vmul.f32 v12, v12;
	v15 =	vmul.f32 v15, v15;
	[tilespmem:s6+$0xA800] =	vst v18  }
0x289: {  	v27 =	vsub.f32 v36, v27;
	v36 =	vmul.f32 v25, v25;
	v31 =	vmul.f32 v31, v19;
	[tilespmem:s6+$0xA810] =	vst v29  }
0x28a: {  	v42 =	vmul.f32 v33, v33;
	v37 =	vsub.f32 v38, v50;
	v38 =	vmul.f32 v28, v28;
	[tilespmem:s6+$0xA820] =	vst v30  }
0x28b: {  	v32 =	vsub.f32 v40, v32;
	v40 =	vmul.f32 v35, v35;
	v43 =	vmul.f32 v39, v39;
	[tilespmem:s6+$0xB870] =	vst v31  }
0x28c: {  	v17 =	vadd.f32 v17, v24;
	v24 =	vsub.f32 v41, v26;
	v18 =	vmul.f32 v18, v18;
	[tilespmem:s6+$0xA830] =	vst v27  }
0x28d: {  	v16 =	vadd.f32 v16, v23;
	v23 =	vmul.f32 v29, v29;
	v14 =	vadd.f32 v14, v22;
	[tilespmem:s6+$0x8840] =	vst v12  }
0x28e: {  	v22 =	vadd.f32 v36, v34;
	v13 =	vadd.f32 v15, v13;
	v12 =	vmul.f32 v30, v30;
	[tilespmem:s6+$0x9840] =	vst v25  }
0x28f: {  	v26 =	vadd.f32 v43, v40;
	v15 =	vmul.f32 v27, v27;
	v25 =	vadd.f32 v42, v38;
	[tilespmem:s6+$0xA840] =	vst v37  }
0x290: {  	v29 =	vmul.f32 v32, v32;
	v18 =	vadd.f32 v18, v17;
	v27 =	vmul.f32 v37, v37;
	[tilespmem:s6+$0x8850] =	vst v28  }
0x291: {  	v17 =	vadd.f32 v23, v16;
	v16 =	vadd.f32 v12, v14;
	v12 =	vmul.f32 v24, v24;
	[tilespmem:s6+$0x9850] =	vst v33  }
0x292: {  	v15 =	vadd.f32 v15, v13;
	v23 =	vshra.s32 v18, $0x1;
	v14 =	vadd.f32 v27, v22;
	[tilespmem:s6+$0xA850] =	vst v32  }
0x293: {  	v22 =	vmul.f32 $5.000000000e-01, v18;
	v13 =	vadd.f32 v29, v25;
	v12 =	vadd.f32 v12, v26;
	[tilespmem:s6+$0x8860] =	vst v35  }
0x294: {  	v25 =	vshra.s32 v17, $0x1;
	v29 =	vmul.f32 $5.000000000e-01, v17;
	v26 =	vshra.s32 v16, $0x1;
	[tilespmem:s6+$0x9860] =	vst v39  }
0x295: {  	v31 =	vmul.f32 $5.000000000e-01, v15;
	v27 =	vshra.s32 v15, $0x1;
	v30 =	vmul.f32 $5.000000000e-01, v16;
	[tilespmem:s6+$0xA860] =	vst v24  }
0x296: {  	v32 =	vmul.f32 $5.000000000e-01, v14;
	v28 =	vshra.s32 v13, $0x1;
	v24 =	vshra.s32 v14, $0x1;
	[tilespmem:s6+$0x9870] =	vst v20  }
0x297: {  	v33 =	vshra.s32 v12, $0x1;
	v34 =	vmul.f32 $5.000000000e-01, v12;
	v20 =	vmul.f32 $5.000000000e-01, v13;
	[tilespmem:s6+$0xA870] =	vst v21  }
0x298: {  	v21 =	vsub.s32 $0x5F3759DF, v23;
	v23 =	vsub.s32 $0x5F3759DF, v25;
	v25 =	vsub.s32 $0x5F3759DF, v26  }
0x299: {  	v35 =	vsub.s32 $0x5F3759DF, v28;
	v24 =	vsub.s32 $0x5F3759DF, v24;
	v26 =	vsub.s32 $0x5F3759DF, v27  }
0x29a: {  	v33 =	vsub.s32 $0x5F3759DF, v33;
	v27 =	vmul.f32 v21, v22;
	v28 =	vmul.f32 v23, v29  }
0x29b: {  	vm7 =	vle.f32 v18, $1.600000110e-01;
	v36 =	vmul.f32 v25, v30;
	v37 =	vmul.f32 v26, v31  }
0x29c: {  	vm5 =	vle.f32 v17, $1.600000110e-01;
	v38 =	vmul.f32 v24, v32;
	v39 =	vmul.f32 v35, v20  }
0x29d: {  	vm6 =	vle.f32 v16, $1.600000110e-01;
	v40 =	vmul.f32 v33, v34;
	v27 =	vmul.f32 v21, v27  }
0x29e: {  	vm0 =	vle.f32 v15, $1.600000110e-01;
	v28 =	vmul.f32 v23, v28;
	v36 =	vmul.f32 v25, v36  }
0x29f: {  	v38 =	vmul.f32 v24, v38;
	v37 =	vmul.f32 v26, v37;
	v27 =	vsub.f32 $1.500000000e+00, v27  }
0x2a0: {  	v40 =	vmul.f32 v33, v40;
	v39 =	vmul.f32 v35, v39;
	v28 =	vsub.f32 $1.500000000e+00, v28  }
0x2a1: {  	v21 =	vmul.f32 v21, v27;
	v27 =	vsub.f32 $1.500000000e+00, v36;
	v36 =	vsub.f32 $1.500000000e+00, v37  }
0x2a2: {  	v23 =	vmul.f32 v23, v28;
	v37 =	vsub.f32 $1.500000000e+00, v38;
	v38 =	vsub.f32 $1.500000000e+00, v39  }
0x2a3: {  	v28 =	vmul.f32 v25, v27;
	v27 =	vmul.f32 v26, v36;
	v36 =	vsub.f32 $1.500000000e+00, v40  }
0x2a4: {  	vm4 =	vle.f32 v14, $1.600000110e-01;
	v26 =	vmul.f32 v24, v37;
	v25 =	vmul.f32 v35, v38  }
0x2a5: {  	vm3 =	vle.f32 v13, $1.600000110e-01;
	v22 =	vmul.f32 v21, v22;
	v24 =	vmul.f32 v33, v36  }
0x2a6: {  	vm1 =	vle.f32 v12, $1.600000110e-01;
	v29 =	vmul.f32 v23, v29;
	v30 =	vmul.f32 v28, v30  }
0x2a7: {  	vm2 =	vle.f32 v19, $1.600000110e-01;
	v31 =	vmul.f32 v27, v31;
	v32 =	vmul.f32 v26, v32  }
0x2a8: {  	v19 =	vsel vm7, $0x1, v1;
	v20 =	vmul.f32 v25, v20;
	v33 =	vmul.f32 v24, v34  }
0x2a9: {  	v22 =	vmul.f32 v22, v21;
	[tilespmem:s6+$0xC800] =	vst v19;
	v19 =	vmul.f32 v29, v23;
	v29 =	vsel vm5, $0x1, v1  }
.Ltmp3:
0x2aa: {  	v31 =	vmul.f32 v31, v27;
	[tilespmem:s6+$0xC810] =	vst v29;
	v29 =	vmul.f32 v30, v28;
	v30 =	vsel vm6, $0x1, v1;
	(pc) =	sbr.rel @p0 .LBB2_9-.Ltmp3, $4  }
0x2ab: {  	v22 =	vsub.f32 $1.500000000e+00, v22;
	v32 =	vmul.f32 v32, v26;
	v34 =	vmul.f32 v20, v25;
	[tilespmem:s6+$0xC820] =	vst v30  }
0x2ac: {  	v33 =	vmul.f32 v33, v24;
	v19 =	vsub.f32 $1.500000000e+00, v19;
	v29 =	vsub.f32 $1.500000000e+00, v29  }
0x2ad: {  	v21 =	vmul.f32 v22, v21;
	v22 =	vsub.f32 $1.500000000e+00, v32;
	v30 =	vsub.f32 $1.500000000e+00, v31  }
0x2ae: {  	s13 =	sadd.s32 $0x200, s13;
	v20 =	vmul.f32 v19, v23;
	v23 =	vsub.f32 $1.500000000e+00, v34;
	v19 =	vsub.f32 $1.500000000e+00, v33  }
0x2af: {  	v2 =	vsel vm0, $0x1, v1  }
0x2b0: {  	v4 =	vmul.f32 v21, v18;
	[tilespmem:s6+$0xC830] =	vst v2;
	v2 =	vsel vm4, $0x1, v1  }
0x2b1: {  	v3 =	vmul.f32 v29, v28;
	[tilespmem:s6+$0xC840] =	vst v2  }
0x2b2: {  	v5 =	vmul.f32 v30, v27;
	v6 =	vmul.f32 v20, v17;
	v2 =	vsel vm3, $0x1, v1;
	[tilespmem:s6+$0xB800] =	vst v4  }
0x2b3: {  	v62 =	vmul.f32 v19, v24;
	v3 =	vmul.f32 v3, v16;
	[tilespmem:s6+$0xC850] =	vst v2  }
0x2b4: {  	v61 =	vmul.f32 v23, v25;
	v5 =	vmul.f32 v5, v15;
	[tilespmem:s6+$0xB810] =	vst v6  }
0x2b5: {  	v2 =	vmul.f32 v22, v26;
	v63 =	vmul.f32 v62, v12;
	[tilespmem:s6+$0xB820] =	vst v3  }
0x2b6: {  	v3 =	vmul.f32 v61, v13;
	[tilespmem:s6+$0xB830] =	vst v5  }
0x2b7: {  	v2 =	vmul.f32 v2, v14;
	[tilespmem:s6+$0xB860] =	vst v63  }
0x2b8: {  	[tilespmem:s6+$0xB850] =	vst v3  }
0x2b9: {  	v3 =	vsel vm2, $0x1, v1;
	[tilespmem:s6+$0xB840] =	vst v2  }
0x2ba: {  	s0 =	sshll.u32 s5, $0x8;
	v2 =	vsel vm1, $0x1, v1;
	[tilespmem:s6+$0xC870] =	vst v3  }
0x2bb: {  	s5 =	sadd.s32 s1, s0;
	[tilespmem:s6+$0xC860] =	vst v2  }
0x2bc: {  	[hbm4b:s5+s4] =	stream.linear.scatter [tilespmem:s24], [sflag:$0x2], $0x1000, $0x38;
	[tilespmem:$0xD000] =	vst v63  }
0x2bd: {  	s7 =	sadd.s32 $0x1, s7;
	s23 =	sadd.s32 s9, s0  }
0x2be: {  	[hbm4b:s23+s4] =	stream.linear.scatter [tilespmem:s25], [sflag:$0x2], $0x1000, $0x38;
	[tilespmem:$0xD000] =	vst v63  }
0x2bf: {  	s30 =	sadd.s32 s10, s0;
	p0 =	sne.s32 s7, $0x10  }
0x2c0: {  	[hbm4b:s30+s4] =	stream.linear.scatter [tilespmem:s26], [sflag:$0x2], $0x1000, $0x38;
	[tilespmem:$0xD000] =	vst v63  }
.Ltmp4:
0x2c1: {  	_ = 	snop;
	(pc) =	sbr.rel @p0 .LBB2_2-.Ltmp4, $4  }
0x2c2: {  	s31 =	sadd.s32 s2, s0  }
0x2c3: {  	[hbm4b:s31+s4] =	stream.linear.scatter [tilespmem:s28], [sflag:$0x2], $0x1000, $0x38;
	[tilespmem:$0xD000] =	vst v63  }
0x2c4: {  	s0 =	sadd.s32 s3, s0  }
0x2c5: {  	[hbm4b:s0+s4] =	stream.linear.scatter [tilespmem:s29], [sflag:$0x2], $0x1000, $0x38;
	[tilespmem:$0xD000] =	vst v63  }
0x2c6: {  	s0 =	simm.s32 $0x1  }
0x2c7: {  	_ =	swait.ge [sflag:s0], $0x1000  }
0x2c8: {  	[sflag:s0] =	ssyncset.done $0x0  }
0x2c9: {  	[sflag:s0] =	ssyncadd.s32 $0xFFFFF000  }
0x2ca: {  	_ =	swait.ge [sflag:s0], $0x1000  }
0x2cb: {  	[sflag:s0] =	ssyncset.done $0x0  }
0x2cc: {  	[sflag:s0] =	ssyncadd.s32 $0xFFFFF000  }
0x2cd: {  	_ =	swait.ge [sflag:s0], $0x1000  }
0x2ce: {  	[sflag:s0] =	ssyncset.done $0x0  }
0x2cf: {  	[sflag:s0] =	ssyncadd.s32 $0xFFFFF000  }
0x2d0: {  	_ =	swait.ge [sflag:s0], $0x1000  }
0x2d1: {  	[sflag:s0] =	ssyncset.done $0x0  }
0x2d2: {  	[sflag:s0] =	ssyncadd.s32 $0xFFFFF000  }
0x2d3: {  	_ =	swait.ge [sflag:s0], $0x1000  }
0x2d4: {  	[sflag:s0] =	ssyncset.done $0x0  }
0x2d5: {  	s5 =	simm.s32 $0x2;
	[sflag:s0] =	ssyncadd.s32 $0xFFFFF000  }
0x2d6: {  	_ =	swait.ge [sflag:s5], $0x1000  }
0x2d7: {  	[sflag:s5] =	ssyncset.done $0x0  }
0x2d8: {  	[sflag:s5] =	ssyncadd.s32 $0xFFFFF000  }
0x2d9: {  	_ =	swait.ge [sflag:s5], $0x1000  }
0x2da: {  	[sflag:s5] =	ssyncset.done $0x0  }
0x2db: {  	[sflag:s5] =	ssyncadd.s32 $0xFFFFF000  }
0x2dc: {  	_ =	swait.ge [sflag:s5], $0x1000  }
0x2dd: {  	[sflag:s5] =	ssyncset.done $0x0  }
0x2de: {  	[sflag:s5] =	ssyncadd.s32 $0xFFFFF000  }
0x2df: {  	_ =	swait.ge [sflag:s5], $0x1000  }
0x2e0: {  	[sflag:s5] =	ssyncset.done $0x0  }
0x2e1: {  	[sflag:s5] =	ssyncadd.s32 $0xFFFFF000  }
0x2e2: {  	_ =	swait.ge [sflag:s5], $0x1000  }
0x2e3: {  	s6 =	rddreg [dreg:$0x9]  }
0x2e4: {  	s31 =	rddreg [dreg:$0x8];
	s6 =	sadd.s32 $0x1, s6  }
0x2e5: {  	p0 =	sne.s32 s6, s31  }
.Ltmp5:
0x2e6: {  	_ = 	snop;
	(pc) =	sbr.rel @p0 .LBB2_1-.Ltmp5, $3  }
0x2e7: {  	_ =	sdelay $0x1  }
0x2e8: {  	[sflag:s5] =	ssyncset.done $0x0  }
0x2e9: {  	[sflag:s5] =	ssyncadd.s32 $0xFFFFF000  }
0x2ea: {  	_ =	sfence.sel $0x180000  }
0x2eb: {  	[bflag:$0x0] =	sbarrier.arrive $0xFFFF  }
0x2ec: {  	_ =	strace $0x90000047  }
0x2ed: {  	s0 =	stileid.u32;
	[bflag:$0x2] =	sbarrier.arrive $0xFFFF  }
0x2ee: {  	p0 =	sne.s32 s0, $0x0;
	s0 =	rddreg [dreg:$0x4]  }
0x2ef: {  	s0 =	sadd.s32 @!p0 $0x100000, s0  }
0x2f0: {  	[sflag:s0] =	ssyncadd.tile.s32 @!p0 $0x1;
	_ =	shalt  }
.Lfunc_end2:
_tile_overlayer_lowered:
.L_overlay_start_2:
0x2f1: {  	(tag) =	ssettag $0x2  }
0x2f2: {  	s0 =	rddreg [dreg:$0x0];
	s2 =	stileid.u32  }
0x2f3: {  	s1 =	rddreg [dreg:$0x1];
	p0 =	sne.s32 s2, $0x0  }
0x2f4: {  	s3 =	rddreg [dreg:$0x2];
	[bflag:$0x3] =	sbarrier.arrive $0xFFFF;
	s2 =	simm.s32 @!p0 $0x1C03  }
0x2f5: {  	[timem:s3], [sflag:s2] =	dma.local @!p0 [hbm:s0], s1  }
0x2f6: {  	s0 =	simm.s32 @!p0 $0x3  }
0x2f7: {  	_ =	swait.ge @!p0 [sflag:s0], s1  }
0x2f8: {  	s1 =	ssub.s32 @!p0 $0x0, s1;
	[sflag:s0] =	ssyncset.done @!p0 $0x0  }
0x2f9: {  	[sflag:s0] =	ssyncadd.s32 @!p0 s1  }
0x2fa: {  	[bflag:$0x3] =	sbarrier.arrive $0xFFFF  }
0x2fb: {  	_ =	shalt  }

</sc_bundles>
